<compile_context>
chip_gen: v7x
topology: tpu7x:2x2x1
jax: 0.10.2.dev20260603
libtpu: 0.0.44.dev20260713+nightly
codegen_flags: <defaults>
</compile_context>

<pallas_src>
import functools

import jax
import jax.numpy as jnp
from jax import lax
from jax.experimental import pallas as pl
from jax.experimental.pallas import tpu as pltpu
from jax.experimental.pallas import tpu_sc as plsc

N = 10000
M = 5000
E = 320000
D = 128

NC, NS = 2, 16
NW = NC * NS
E_PAD = 327680
EPW = E_PAD // NW

M_PAD = 5120
N_PAD = 10240


def _make_seg_sum(table_rows: int, acc_rows: int, nbuf: int, halves: int, zrows: int = 8):
    stripe = acc_rows // NS
    nz = stripe // zrows
    chunk = 128
    cpw = EPW // chunk
    cph = cpw // halves
    assert cph % nbuf == 0
    mesh = plsc.VectorSubcoreMesh(core_axis_name="c", subcore_axis_name="s")

    @functools.partial(
        pl.kernel,
        out_type=jax.ShapeDtypeStruct((NC, acc_rows, D), jnp.float32),
        mesh=mesh,
        scratch_types=[
            pltpu.VMEM((cph, chunk), jnp.int32),
            pltpu.VMEM((cph, chunk), jnp.int32),
            [pltpu.VMEM((chunk, D), jnp.float32) for _ in range(nbuf)],
            pltpu.VMEM((zrows, D), jnp.float32),
            pltpu.VMEM_SHARED((acc_rows, D), jnp.float32),
            [pltpu.SemaphoreType.DMA for _ in range(nbuf)],
        ],
    )
    def seg(table, gidx, sidx, out, gidx_v, sidx_v, bufs, zbuf, acc, sems):
        c = lax.axis_index("c")
        s = lax.axis_index("s")
        wid = c * NS + s
        zero16 = jnp.zeros((16,), jnp.float32)

        def zfill(i, carry):
            for j in range(D // 16):
                zbuf[i, pl.ds(j * 16, 16)] = zero16
            return carry

        lax.fori_loop(0, zrows, zfill, 0)

        row0 = s * stripe

        def zcopy(i, carry):
            pltpu.sync_copy(zbuf, acc.at[pl.ds(row0 + i * zrows, zrows)])
            return carry

        lax.fori_loop(0, nz, zcopy, 0)
        plsc.subcore_barrier()

        for h in range(halves):
            pltpu.sync_copy(gidx.at[wid, pl.ds(h * cph, cph)], gidx_v)
            pltpu.sync_copy(sidx.at[wid, pl.ds(h * cph, cph)], sidx_v)
            for k in range(nbuf - 1):
                pltpu.async_copy(table.at[gidx_v.at[k]], bufs[k], sems[k])

            def body(jj, carry):
                base = nbuf * jj
                pltpu.async_copy(table.at[gidx_v.at[base + nbuf - 1]],
                                 bufs[nbuf - 1], sems[nbuf - 1])
                for k in range(nbuf):
                    jk = base + k
                    pltpu.make_async_copy(table.at[gidx_v.at[jk]], bufs[k], sems[k]).wait()
                    pltpu.sync_copy(bufs[k], acc.at[sidx_v.at[jk]], add=True)
                    if k < nbuf - 1:
                        @pl.when(jk + nbuf < cph)
                        def _():
                            pltpu.async_copy(table.at[gidx_v.at[jk + nbuf]],
                                             bufs[k], sems[k])
                return carry

            lax.fori_loop(0, cph // nbuf, body, 0)
        plsc.subcore_barrier()
        pltpu.sync_copy(acc.at[pl.ds(row0, stripe)], out.at[c, pl.ds(row0, stripe)])

    return seg


_seg_edges = _make_seg_sum(N, M_PAD, 4, 1)
_seg_nodes = _make_seg_sum(M_PAD, N_PAD, 2, 2)


BN_BLK = 1000


def _bn_body(x_ref, g_ref, b_ref, dv_ref, o_ref, acc_ref):
    p = pl.program_id(0)
    i = pl.program_id(1)

    @pl.when((p == 0) & (i == 0))
    def _():
        acc_ref[...] = jnp.zeros_like(acc_ref)

    @pl.when(p == 0)
    def _():
        x = x_ref[...]
        acc_ref[0:1, :] += jnp.sum(x, axis=0, keepdims=True)
        acc_ref[1:2, :] += jnp.sum(x * x, axis=0, keepdims=True)

    @pl.when(p == 1)
    def _():
        x = x_ref[...]
        mean = acc_ref[0:1, :] * (1.0 / N)
        var = acc_ref[1:2, :] * (1.0 / N) - mean * mean
        inv = lax.rsqrt(var + 1e-5)
        o_ref[...] = ((x - mean) * inv * g_ref[...] + b_ref[...]) * dv_ref[...]


def _bn(X, gamma, beta, dv):
    return pl.pallas_call(
        _bn_body,
        grid=(2, N // BN_BLK),
        in_specs=[
            pl.BlockSpec((BN_BLK, D), lambda p, i: (i, 0)),
            pl.BlockSpec((1, D), lambda p, i: (0, 0)),
            pl.BlockSpec((1, D), lambda p, i: (0, 0)),
            pl.BlockSpec((BN_BLK, 1), lambda p, i: (i, 0)),
        ],
        out_specs=pl.BlockSpec((BN_BLK, D), lambda p, i: (i * p, 0)),
        out_shape=jax.ShapeDtypeStruct((N, D), jnp.float32),
        scratch_shapes=[pltpu.VMEM((2, D), jnp.float32)],
    )(X, gamma.reshape(1, D), beta.reshape(1, D), dv.reshape(N, 1))


CB_BLK = 1024


def _combine_body(y_ref, ds_ref, de_ref, o_ref):
    y = y_ref[0] + y_ref[1]
    o_ref[...] = jnp.maximum(y * ds_ref[...], 0.0) * de_ref[...]


def _combine(Yp, desum_p, de_p):
    return pl.pallas_call(
        _combine_body,
        grid=(M_PAD // CB_BLK,),
        in_specs=[
            pl.BlockSpec((2, CB_BLK, D), lambda i: (0, i, 0)),
            pl.BlockSpec((CB_BLK, 1), lambda i: (i, 0)),
            pl.BlockSpec((CB_BLK, 1), lambda i: (i, 0)),
        ],
        out_specs=pl.BlockSpec((CB_BLK, D), lambda i: (i, 0)),
        out_shape=jax.ShapeDtypeStruct((M_PAD, D), jnp.float32),
    )(Yp, desum_p, de_p)


F_BLK = 2000


def _final_body(x_ref, dv_ref, w_ref, b_ref, o_ref):
    x = (x_ref[0] + x_ref[1]) * dv_ref[...]
    o_ref[...] = jnp.dot(x, w_ref[...], preferred_element_type=jnp.float32) + b_ref[...]


def _final(X2p, dvs, WvT, bv):
    return pl.pallas_call(
        _final_body,
        grid=(N // F_BLK,),
        in_specs=[
            pl.BlockSpec((2, F_BLK, D), lambda i: (0, i, 0)),
            pl.BlockSpec((F_BLK, 1), lambda i: (i, 0)),
            pl.BlockSpec((D, D), lambda i: (0, 0)),
            pl.BlockSpec((1, D), lambda i: (0, 0)),
        ],
        out_specs=pl.BlockSpec((F_BLK, D), lambda i: (i, 0)),
        out_shape=jax.ShapeDtypeStruct((N, D), jnp.float32),
    )(X2p, dvs, WvT, bv)


@jax.jit
def kernel(X_origin, node_idx, edge_idx, gamma, beta, dv, dv_sum, de, de_sum, Wv, bv):
    node32 = node_idx.astype(jnp.int32)
    edge32 = edge_idx.astype(jnp.int32)
    pad = E_PAD - E
    pad_rows = jnp.arange(pad, dtype=jnp.int32)
    gA = jnp.concatenate([node32, pad_rows % N]).reshape(NW, EPW // 128, 128)
    sA = jnp.concatenate([edge32, jnp.full((pad,), M, jnp.int32)]).reshape(NW, EPW // 128, 128)
    gB = jnp.concatenate([edge32, pad_rows % M]).reshape(NW, EPW // 128, 128)
    sB = jnp.concatenate([node32, jnp.full((pad,), N, jnp.int32)]).reshape(NW, EPW // 128, 128)

    desum_p = jnp.pad(de_sum, (0, M_PAD - M)).reshape(M_PAD, 1)
    de_p = jnp.pad(de, (0, M_PAD - M)).reshape(M_PAD, 1)

    Xs = _bn(X_origin, gamma, beta, dv)
    Yp = _seg_edges(Xs, gA, sA)
    Yf = _combine(Yp, desum_p, de_p)
    X2p = _seg_nodes(Yf, gB, sB)
    return _final(X2p, dv_sum.reshape(N, 1), Wv.T, bv.reshape(1, D))

# --- scband reference (transcript-rebuilt; emitter-appended) ---
"""Pipeline reference for scband-lhgnnconv-59768764891653 (READ-ONLY COPY).

The authoritative reference and input builder live on the scoring server;
editing this copy changes nothing except your own understanding.
"""

import jax, jax.numpy as jnp
import numpy as np

N = 10000   # nodes
M = 5000    # hyperedges
E = 320000  # incidences (nnz of H)
D = 128     # in_channels == out_channels


def setup_inputs(seed: int = 0) -> dict:
    key = jax.random.key(seed)
    ks = jax.random.split(key, 11)
    X_origin = jax.random.normal(ks[0], (N, D), dtype=jnp.float32)
    node_idx = jax.random.randint(ks[1], (E,), 0, N, dtype=jnp.int64 if jax.config.jax_enable_x64 else jnp.int32)
    edge_idx = jax.random.randint(ks[2], (E,), 0, M, dtype=jnp.int64 if jax.config.jax_enable_x64 else jnp.int32)
    # BatchNorm1d affine params
    gamma = (1.0 + 0.1 * jax.random.normal(ks[3], (D,))).astype(jnp.float32)
    beta = (0.1 * jax.random.normal(ks[4], (D,))).astype(jnp.float32)
    # Diagonal degree-normalization matrices, stored as vectors
    dv = jax.random.uniform(ks[5], (N,), minval=0.1, maxval=1.0, dtype=jnp.float32)
    dv_sum = jax.random.uniform(ks[6], (N,), minval=0.1, maxval=1.0, dtype=jnp.float32)
    de = jax.random.uniform(ks[7], (M,), minval=0.1, maxval=1.0, dtype=jnp.float32)
    de_sum = jax.random.uniform(ks[8], (M,), minval=0.1, maxval=1.0, dtype=jnp.float32)
    # linear_v weights (out_channels x in_channels) and bias
    Wv = (jax.random.normal(ks[9], (D, D)) / np.sqrt(D)).astype(jnp.float32)
    bv = (0.01 * jax.random.normal(ks[10], (D,))).astype(jnp.float32)
    return {"X_origin": X_origin, "node_idx": node_idx, "edge_idx": edge_idx,
            "gamma": gamma, "beta": beta, "dv": dv, "dv_sum": dv_sum,
            "de": de, "de_sum": de_sum, "Wv": Wv, "bv": bv}


def reference(X_origin, node_idx, edge_idx, gamma, beta, dv, dv_sum, de, de_sum, Wv, bv):
    eps = 1e-5
    # BatchNorm1d (training mode: batch statistics)
    mean = jnp.mean(X_origin, axis=0)
    var = jnp.var(X_origin, axis=0)
    X = (X_origin - mean) / jnp.sqrt(var + eps) * gamma + beta
    # X = Dv @ X  (diagonal sparse mm)
    X = dv[:, None] * X
    # Y = H_T @ X : gather node features, scatter-add into hyperedges
    Y = jax.ops.segment_sum(X[node_idx], edge_idx, num_segments=M)
    # Y = De_sum @ Y
    Y = de_sum[:, None] * Y
    Y = jax.nn.relu(Y)
    # Y = De @ Y
    Y = de[:, None] * Y
    # X = H @ Y : gather hyperedge features, scatter-add into nodes
    X2 = jax.ops.segment_sum(Y[edge_idx], node_idx, num_segments=N)
    # X = Dv_sum @ X
    X2 = dv_sum[:, None] * X2
    # linear_v ; is_last=True so dropout is skipped
    out = X2 @ Wv.T + bv
    return out

if __name__ == "__main__":
    import jax
    _d = setup_inputs()
    print(jax.jit(kernel)(*tuple(_d.values())))

</pallas_src>

<mosaic_0001>
#map = affine_map<(d0, d1) -> (0, 0)>
#map1 = affine_map<(d0, d1) -> (0, 0, 0)>
module attributes {stable_mosaic.version = 14 : i64} {
  func.func @seg(%arg0: i32, %arg1: i32, %arg2: memref<5120x128xf32, #tpu.memory_space<hbm>>, %arg3: memref<32x80x128xi32, #tpu.memory_space<hbm>>, %arg4: memref<32x80x128xi32, #tpu.memory_space<hbm>>, %arg5: memref<2x10240x128xf32, #tpu.memory_space<hbm>>, %arg6: memref<40x128xi32, #tpu.memory_space<vmem>>, %arg7: memref<40x128xi32, #tpu.memory_space<vmem>>, %arg8: memref<128x128xf32, #tpu.memory_space<vmem>>, %arg9: memref<128x128xf32, #tpu.memory_space<vmem>>, %arg10: memref<8x128xf32, #tpu.memory_space<vmem>>, %arg11: memref<10240x128xf32, #tpu.memory_space<vmem_shared>>, %arg12: memref<!tpu.dma_semaphore, #tpu.memory_space<semaphore_mem>>, %arg13: memref<!tpu.dma_semaphore, #tpu.memory_space<semaphore_mem>>) attributes {dimension_semantics = [#tpu.dimension_semantics<core_parallel>, #tpu.dimension_semantics<subcore_parallel>], iteration_bounds = array<i64: 2, 16>, scalar_prefetch = 0 : i64, scratch_operands = 8 : i64, tpu.core_type = #tpu.core_type<sc_vector_subcore>, window_params = [{transform_indices = #map}, {transform_indices = #map1}, {transform_indices = #map1}, {transform_indices = #map1}]} {
    %mul3A = arith.constant 16 : i32
    %mul3A_0 = arith.muli %arg0, %mul3A : i32
    %add3A = arith.addi %mul3A_0, %arg1 : i32
    %broadcast_in_dim3A = arith.constant 0.000000e+00 : f32
    %broadcast_in_dim3A_1 = vector.broadcast %broadcast_in_dim3A : f32 to vector<16xf32>
    %scan3A = arith.constant 0 : i32
    %scan3A_2 = arith.constant 0 : i32
    %scan3A_3 = arith.constant 8 : i32
    %scan3A_4 = arith.addi %scan3A_2, %scan3A_3 : i32
    %scan3A_5 = arith.constant 1 : i32
    scf.for %scan3A_41 = %scan3A_2 to %scan3A_4 step %scan3A_5  : i32 {
      %swap3A = arith.index_cast %scan3A_41 : i32 to index
      %swap3A_42 = arith.constant 0 : index
      %swap3A_43 = tpu.vector_load %arg10[%swap3A, %swap3A_42] {strides = array<i32>} : memref<8x128xf32, #tpu.memory_space<vmem>>, vector<1x16xf32>,
      %swap3A_44 = vector.shape_cast %swap3A_43 : vector<1x16xf32> to vector<16xf32>
      %swap3A_45 = vector.shape_cast %broadcast_in_dim3A_1 : vector<16xf32> to vector<1x16xf32>
      tpu.vector_store %arg10[%swap3A, %swap3A_42], %swap3A_45 {strides = array<i32>} : memref<8x128xf32, #tpu.memory_space<vmem>>, vector<1x16xf32>,
      %swap3A_46 = arith.index_cast %scan3A_41 : i32 to index
      %swap3A_47 = arith.constant 16 : index
      %swap3A_48 = tpu.vector_load %arg10[%swap3A_46, %swap3A_47] {strides = array<i32>} : memref<8x128xf32, #tpu.memory_space<vmem>>, vector<1x16xf32>,
      %swap3A_49 = vector.shape_cast %swap3A_48 : vector<1x16xf32> to vector<16xf32>
      %swap3A_50 = vector.shape_cast %broadcast_in_dim3A_1 : vector<16xf32> to vector<1x16xf32>
      tpu.vector_store %arg10[%swap3A_46, %swap3A_47], %swap3A_50 {strides = array<i32>} : memref<8x128xf32, #tpu.memory_space<vmem>>, vector<1x16xf32>,
      %swap3A_51 = arith.index_cast %scan3A_41 : i32 to index
      %swap3A_52 = arith.constant 32 : index
      %swap3A_53 = tpu.vector_load %arg10[%swap3A_51, %swap3A_52] {strides = array<i32>} : memref<8x128xf32, #tpu.memory_space<vmem>>, vector<1x16xf32>,
      %swap3A_54 = vector.shape_cast %swap3A_53 : vector<1x16xf32> to vector<16xf32>
      %swap3A_55 = vector.shape_cast %broadcast_in_dim3A_1 : vector<16xf32> to vector<1x16xf32>
      tpu.vector_store %arg10[%swap3A_51, %swap3A_52], %swap3A_55 {strides = array<i32>} : memref<8x128xf32, #tpu.memory_space<vmem>>, vector<1x16xf32>,
      %swap3A_56 = arith.index_cast %scan3A_41 : i32 to index
      %swap3A_57 = arith.constant 48 : index
      %swap3A_58 = tpu.vector_load %arg10[%swap3A_56, %swap3A_57] {strides = array<i32>} : memref<8x128xf32, #tpu.memory_space<vmem>>, vector<1x16xf32>,
      %swap3A_59 = vector.shape_cast %swap3A_58 : vector<1x16xf32> to vector<16xf32>
      %swap3A_60 = vector.shape_cast %broadcast_in_dim3A_1 : vector<16xf32> to vector<1x16xf32>
      tpu.vector_store %arg10[%swap3A_56, %swap3A_57], %swap3A_60 {strides = array<i32>} : memref<8x128xf32, #tpu.memory_space<vmem>>, vector<1x16xf32>,
      %swap3A_61 = arith.index_cast %scan3A_41 : i32 to index
      %swap3A_62 = arith.constant 64 : index
      %swap3A_63 = tpu.vector_load %arg10[%swap3A_61, %swap3A_62] {strides = array<i32>} : memref<8x128xf32, #tpu.memory_space<vmem>>, vector<1x16xf32>,
      %swap3A_64 = vector.shape_cast %swap3A_63 : vector<1x16xf32> to vector<16xf32>
      %swap3A_65 = vector.shape_cast %broadcast_in_dim3A_1 : vector<16xf32> to vector<1x16xf32>
      tpu.vector_store %arg10[%swap3A_61, %swap3A_62], %swap3A_65 {strides = array<i32>} : memref<8x128xf32, #tpu.memory_space<vmem>>, vector<1x16xf32>,
      %swap3A_66 = arith.index_cast %scan3A_41 : i32 to index
      %swap3A_67 = arith.constant 80 : index
      %swap3A_68 = tpu.vector_load %arg10[%swap3A_66, %swap3A_67] {strides = array<i32>} : memref<8x128xf32, #tpu.memory_space<vmem>>, vector<1x16xf32>,
      %swap3A_69 = vector.shape_cast %swap3A_68 : vector<1x16xf32> to vector<16xf32>
      %swap3A_70 = vector.shape_cast %broadcast_in_dim3A_1 : vector<16xf32> to vector<1x16xf32>
      tpu.vector_store %arg10[%swap3A_66, %swap3A_67], %swap3A_70 {strides = array<i32>} : memref<8x128xf32, #tpu.memory_space<vmem>>, vector<1x16xf32>,
      %swap3A_71 = arith.index_cast %scan3A_41 : i32 to index
      %swap3A_72 = arith.constant 96 : index
      %swap3A_73 = tpu.vector_load %arg10[%swap3A_71, %swap3A_72] {strides = array<i32>} : memref<8x128xf32, #tpu.memory_space<vmem>>, vector<1x16xf32>,
      %swap3A_74 = vector.shape_cast %swap3A_73 : vector<1x16xf32> to vector<16xf32>
      %swap3A_75 = vector.shape_cast %broadcast_in_dim3A_1 : vector<16xf32> to vector<1x16xf32>
      tpu.vector_store %arg10[%swap3A_71, %swap3A_72], %swap3A_75 {strides = array<i32>} : memref<8x128xf32, #tpu.memory_space<vmem>>, vector<1x16xf32>,
      %swap3A_76 = arith.index_cast %scan3A_41 : i32 to index
      %swap3A_77 = arith.constant 112 : index
      %swap3A_78 = tpu.vector_load %arg10[%swap3A_76, %swap3A_77] {strides = array<i32>} : memref<8x128xf32, #tpu.memory_space<vmem>>, vector<1x16xf32>,
      %swap3A_79 = vector.shape_cast %swap3A_78 : vector<1x16xf32> to vector<16xf32>
      %swap3A_80 = vector.shape_cast %broadcast_in_dim3A_1 : vector<16xf32> to vector<1x16xf32>
      tpu.vector_store %arg10[%swap3A_76, %swap3A_77], %swap3A_80 {strides = array<i32>} : memref<8x128xf32, #tpu.memory_space<vmem>>, vector<1x16xf32>,
    }
    %scan3A_6 = arith.constant 8 : i32
    %mul3A_7 = arith.constant 640 : i32
    %mul3A_8 = arith.muli %arg1, %mul3A_7 : i32
    %scan3A_9 = arith.constant 0 : i32
    %scan3A_10 = arith.constant 0 : i32
    %scan3A_11 = arith.constant 80 : i32
    %scan3A_12 = arith.addi %scan3A_10, %scan3A_11 : i32
    %scan3A_13 = arith.constant 1 : i32
    scf.for %scan3A_41 = %scan3A_10 to %scan3A_12 step %scan3A_13  : i32 {
      %mul3A_42 = arith.constant 8 : i32
      %mul3A_43 = arith.muli %scan3A_41, %mul3A_42 : i32
      %add3A_44 = arith.addi %mul3A_8, %mul3A_43 : i32
      "tpu.region"() ({
        %run_scoped3A = tpu.sem_alloc : memref<!tpu.dma_semaphore, #tpu.memory_space<semaphore_mem>>
        %dma_start3A_45 = arith.constant 0 : i32
        %dma_start3A_46 = tpu.memref_slice %arg11[%add3A_44, %dma_start3A_45] : memref<10240x128xf32, #tpu.memory_space<vmem_shared>> -> memref<8x128xf32, #tpu.memory_space<vmem_shared>>
        %dma_start3A_47 = arith.constant 0 : i32
        %dma_start3A_48 = tpu.memref_slice %arg11[%add3A_44, %dma_start3A_47] : memref<10240x128xf32, #tpu.memory_space<vmem_shared>> -> memref<8x128xf32, #tpu.memory_space<vmem_shared>>
        tpu.enqueue_dma source(%arg10 : memref<8x128xf32, #tpu.memory_space<vmem>>) target(%dma_start3A_48 : memref<8x128xf32, #tpu.memory_space<vmem_shared>>) target_semaphore(%run_scoped3A : memref<!tpu.dma_semaphore, #tpu.memory_space<semaphore_mem>>)
        %dma_wait3A = arith.constant 0 : i32
        %dma_wait3A_49 = tpu.memref_slice %arg11[%add3A_44, %dma_wait3A] : memref<10240x128xf32, #tpu.memory_space<vmem_shared>> -> memref<8x128xf32, #tpu.memory_space<vmem_shared>>
        %dma_wait3A_50 = arith.constant 0 : i32
        %dma_wait3A_51 = tpu.memref_slice %arg11[%add3A_44, %dma_wait3A_50] : memref<10240x128xf32, #tpu.memory_space<vmem_shared>> -> memref<8x128xf32, #tpu.memory_space<vmem_shared>>
        tpu.wait_dma2 semaphore(%run_scoped3A : memref<!tpu.dma_semaphore, #tpu.memory_space<semaphore_mem>>) src(%arg10 : memref<8x128xf32, #tpu.memory_space<vmem>>) dst(%dma_wait3A_51 : memref<8x128xf32, #tpu.memory_space<vmem_shared>>)
        tpu.yield
      }) : () -> ()
    }
    %scan3A_14 = arith.constant 80 : i32
    %barrier3A = arith.constant 0 : index
    tpu.barrier barrier_id(%barrier3A)
    "tpu.region"() ({
      %run_scoped3A = tpu.sem_alloc : memref<!tpu.dma_semaphore, #tpu.memory_space<semaphore_mem>>
      %dma_start3A_41 = arith.constant 0 : i32
      %dma_start3A_42 = arith.constant 0 : i32
      %dma_start3A_43 = tpu.memref_slice %arg3[%add3A, %dma_start3A_41, %dma_start3A_42] : memref<32x80x128xi32, #tpu.memory_space<hbm>> -> memref<1x40x128xi32, #tpu.memory_space<hbm>>
      %dma_start3A_44 = tpu.memref_squeeze %dma_start3A_43 : memref<1x40x128xi32, #tpu.memory_space<hbm>> -> memref<40x128xi32, #tpu.memory_space<hbm>>
      %dma_start3A_45 = arith.constant 0 : i32
      %dma_start3A_46 = arith.constant 0 : i32
      %dma_start3A_47 = tpu.memref_slice %arg3[%add3A, %dma_start3A_45, %dma_start3A_46] : memref<32x80x128xi32, #tpu.memory_space<hbm>> -> memref<1x40x128xi32, #tpu.memory_space<hbm>>
      %dma_start3A_48 = tpu.memref_squeeze %dma_start3A_47 : memref<1x40x128xi32, #tpu.memory_space<hbm>> -> memref<40x128xi32, #tpu.memory_space<hbm>>
      tpu.enqueue_dma source(%dma_start3A_48 : memref<40x128xi32, #tpu.memory_space<hbm>>) target(%arg6 : memref<40x128xi32, #tpu.memory_space<vmem>>) target_semaphore(%run_scoped3A : memref<!tpu.dma_semaphore, #tpu.memory_space<semaphore_mem>>)
      %dma_wait3A = arith.constant 0 : i32
      %dma_wait3A_49 = arith.constant 0 : i32
      %dma_wait3A_50 = tpu.memref_slice %arg3[%add3A, %dma_wait3A, %dma_wait3A_49] : memref<32x80x128xi32, #tpu.memory_space<hbm>> -> memref<1x40x128xi32, #tpu.memory_space<hbm>>
      %dma_wait3A_51 = tpu.memref_squeeze %dma_wait3A_50 : memref<1x40x128xi32, #tpu.memory_space<hbm>> -> memref<40x128xi32, #tpu.memory_space<hbm>>
      %dma_wait3A_52 = arith.constant 0 : i32
      %dma_wait3A_53 = arith.constant 0 : i32
      %dma_wait3A_54 = tpu.memref_slice %arg3[%add3A, %dma_wait3A_52, %dma_wait3A_53] : memref<32x80x128xi32, #tpu.memory_space<hbm>> -> memref<1x40x128xi32, #tpu.memory_space<hbm>>
      %dma_wait3A_55 = tpu.memref_squeeze %dma_wait3A_54 : memref<1x40x128xi32, #tpu.memory_space<hbm>> -> memref<40x128xi32, #tpu.memory_space<hbm>>
      tpu.wait_dma2 semaphore(%run_scoped3A : memref<!tpu.dma_semaphore, #tpu.memory_space<semaphore_mem>>) src(%dma_wait3A_55 : memref<40x128xi32, #tpu.memory_space<hbm>>) dst(%arg6 : memref<40x128xi32, #tpu.memory_space<vmem>>)
      tpu.yield
    }) : () -> ()
    "tpu.region"() ({
      %run_scoped3A = tpu.sem_alloc : memref<!tpu.dma_semaphore, #tpu.memory_space<semaphore_mem>>
      %dma_start3A_41 = arith.constant 0 : i32
      %dma_start3A_42 = arith.constant 0 : i32
      %dma_start3A_43 = tpu.memref_slice %arg4[%add3A, %dma_start3A_41, %dma_start3A_42] : memref<32x80x128xi32, #tpu.memory_space<hbm>> -> memref<1x40x128xi32, #tpu.memory_space<hbm>>
      %dma_start3A_44 = tpu.memref_squeeze %dma_start3A_43 : memref<1x40x128xi32, #tpu.memory_space<hbm>> -> memref<40x128xi32, #tpu.memory_space<hbm>>
      %dma_start3A_45 = arith.constant 0 : i32
      %dma_start3A_46 = arith.constant 0 : i32
      %dma_start3A_47 = tpu.memref_slice %arg4[%add3A, %dma_start3A_45, %dma_start3A_46] : memref<32x80x128xi32, #tpu.memory_space<hbm>> -> memref<1x40x128xi32, #tpu.memory_space<hbm>>
      %dma_start3A_48 = tpu.memref_squeeze %dma_start3A_47 : memref<1x40x128xi32, #tpu.memory_space<hbm>> -> memref<40x128xi32, #tpu.memory_space<hbm>>
      tpu.enqueue_dma source(%dma_start3A_48 : memref<40x128xi32, #tpu.memory_space<hbm>>) target(%arg7 : memref<40x128xi32, #tpu.memory_space<vmem>>) target_semaphore(%run_scoped3A : memref<!tpu.dma_semaphore, #tpu.memory_space<semaphore_mem>>)
      %dma_wait3A = arith.constant 0 : i32
      %dma_wait3A_49 = arith.constant 0 : i32
      %dma_wait3A_50 = tpu.memref_slice %arg4[%add3A, %dma_wait3A, %dma_wait3A_49] : memref<32x80x128xi32, #tpu.memory_space<hbm>> -> memref<1x40x128xi32, #tpu.memory_space<hbm>>
      %dma_wait3A_51 = tpu.memref_squeeze %dma_wait3A_50 : memref<1x40x128xi32, #tpu.memory_space<hbm>> -> memref<40x128xi32, #tpu.memory_space<hbm>>
      %dma_wait3A_52 = arith.constant 0 : i32
      %dma_wait3A_53 = arith.constant 0 : i32
      %dma_wait3A_54 = tpu.memref_slice %arg4[%add3A, %dma_wait3A_52, %dma_wait3A_53] : memref<32x80x128xi32, #tpu.memory_space<hbm>> -> memref<1x40x128xi32, #tpu.memory_space<hbm>>
      %dma_wait3A_55 = tpu.memref_squeeze %dma_wait3A_54 : memref<1x40x128xi32, #tpu.memory_space<hbm>> -> memref<40x128xi32, #tpu.memory_space<hbm>>
      tpu.wait_dma2 semaphore(%run_scoped3A : memref<!tpu.dma_semaphore, #tpu.memory_space<semaphore_mem>>) src(%dma_wait3A_55 : memref<40x128xi32, #tpu.memory_space<hbm>>) dst(%arg7 : memref<40x128xi32, #tpu.memory_space<vmem>>)
      tpu.yield
    }) : () -> ()
    %dma_start3A = arith.constant 0 : i32
    %dma_start3A_15 = arith.constant 0 : i32
    %dma_start3A_16 = tpu.memref_slice %arg6[%dma_start3A, %dma_start3A_15] : memref<40x128xi32, #tpu.memory_space<vmem>> -> memref<1x128xi32, #tpu.memory_space<vmem>>
    %dma_start3A_17 = tpu.memref_squeeze %dma_start3A_16 : memref<1x128xi32, #tpu.memory_space<vmem>> -> memref<128xi32, #tpu.memory_space<vmem>>
    %dma_start3A_18 = arith.constant 0 : i32
    %dma_start3A_19 = arith.constant 0 : i32
    %dma_start3A_20 = tpu.memref_slice %arg2[%dma_start3A_18, %dma_start3A_19] : memref<5120x128xf32, #tpu.memory_space<hbm>> -> memref<5120x128xf32, #tpu.memory_space<hbm>>
    tpu.enqueue_indirect_dma source(%dma_start3A_20 : memref<5120x128xf32, #tpu.memory_space<hbm>>) target(%arg8 : memref<128x128xf32, #tpu.memory_space<vmem>>) offsets(%dma_start3A_17 : memref<128xi32, #tpu.memory_space<vmem>>) semaphore(%arg12 : memref<!tpu.dma_semaphore, #tpu.memory_space<semaphore_mem>>)
    %scan3A_21 = arith.constant 0 : i32
    %scan3A_22 = arith.constant 0 : i32
    %scan3A_23 = arith.constant 20 : i32
    %scan3A_24 = arith.addi %scan3A_22, %scan3A_23 : i32
    %scan3A_25 = arith.constant 1 : i32
    scf.for %scan3A_41 = %scan3A_22 to %scan3A_24 step %scan3A_25  : i32 {
      %mul3A_42 = arith.constant 2 : i32
      %mul3A_43 = arith.muli %mul3A_42, %scan3A_41 : i32
      %add3A_44 = arith.constant 2 : i32
      %add3A_45 = arith.addi %mul3A_43, %add3A_44 : i32
      %sub3A = arith.constant 1 : i32
      %sub3A_46 = arith.subi %add3A_45, %sub3A : i32
      %dma_start3A_47 = arith.constant 0 : i32
      %dma_start3A_48 = tpu.memref_slice %arg6[%sub3A_46, %dma_start3A_47] : memref<40x128xi32, #tpu.memory_space<vmem>> -> memref<1x128xi32, #tpu.memory_space<vmem>>
      %dma_start3A_49 = tpu.memref_squeeze %dma_start3A_48 : memref<1x128xi32, #tpu.memory_space<vmem>> -> memref<128xi32, #tpu.memory_space<vmem>>
      %dma_start3A_50 = arith.constant 0 : i32
      %dma_start3A_51 = arith.constant 0 : i32
      %dma_start3A_52 = tpu.memref_slice %arg2[%dma_start3A_50, %dma_start3A_51] : memref<5120x128xf32, #tpu.memory_space<hbm>> -> memref<5120x128xf32, #tpu.memory_space<hbm>>
      tpu.enqueue_indirect_dma source(%dma_start3A_52 : memref<5120x128xf32, #tpu.memory_space<hbm>>) target(%arg9 : memref<128x128xf32, #tpu.memory_space<vmem>>) offsets(%dma_start3A_49 : memref<128xi32, #tpu.memory_space<vmem>>) semaphore(%arg13 : memref<!tpu.dma_semaphore, #tpu.memory_space<semaphore_mem>>)
      %add3A_53 = arith.constant 0 : i32
      %add3A_54 = arith.addi %mul3A_43, %add3A_53 : i32
      %dma_wait3A = arith.constant 0 : i32
      %dma_wait3A_55 = tpu.memref_slice %arg6[%add3A_54, %dma_wait3A] : memref<40x128xi32, #tpu.memory_space<vmem>> -> memref<1x128xi32, #tpu.memory_space<vmem>>
      %dma_wait3A_56 = tpu.memref_squeeze %dma_wait3A_55 : memref<1x128xi32, #tpu.memory_space<vmem>> -> memref<128xi32, #tpu.memory_space<vmem>>
      %dma_wait3A_57 = arith.constant 0 : i32
      %dma_wait3A_58 = arith.constant 0 : i32
      %dma_wait3A_59 = tpu.memref_slice %arg2[%dma_wait3A_57, %dma_wait3A_58] : memref<5120x128xf32, #tpu.memory_space<hbm>> -> memref<5120x128xf32, #tpu.memory_space<hbm>>
      tpu.wait_indirect_dma semaphore(%arg12 : memref<!tpu.dma_semaphore, #tpu.memory_space<semaphore_mem>>) src(%dma_wait3A_59 : memref<5120x128xf32, #tpu.memory_space<hbm>>) dst(%arg8 : memref<128x128xf32, #tpu.memory_space<vmem>>)
      "tpu.region"() ({
        %run_scoped3A = tpu.sem_alloc : memref<!tpu.dma_semaphore, #tpu.memory_space<semaphore_mem>>
        %dma_start3A_72 = arith.constant 0 : i32
        %dma_start3A_73 = tpu.memref_slice %arg7[%add3A_54, %dma_start3A_72] : memref<40x128xi32, #tpu.memory_space<vmem>> -> memref<1x128xi32, #tpu.memory_space<vmem>>
        %dma_start3A_74 = tpu.memref_squeeze %dma_start3A_73 : memref<1x128xi32, #tpu.memory_space<vmem>> -> memref<128xi32, #tpu.memory_space<vmem>>
        %dma_start3A_75 = arith.constant 0 : i32
        %dma_start3A_76 = arith.constant 0 : i32
        %dma_start3A_77 = tpu.memref_slice %arg11[%dma_start3A_75, %dma_start3A_76] : memref<10240x128xf32, #tpu.memory_space<vmem_shared>> -> memref<10240x128xf32, #tpu.memory_space<vmem_shared>>
        tpu.enqueue_indirect_dma source(%arg8 : memref<128x128xf32, #tpu.memory_space<vmem>>) target(%dma_start3A_77 : memref<10240x128xf32, #tpu.memory_space<vmem_shared>>) offsets(%dma_start3A_74 : memref<128xi32, #tpu.memory_space<vmem>>) semaphore(%run_scoped3A : memref<!tpu.dma_semaphore, #tpu.memory_space<semaphore_mem>>) {add = true}
        %dma_wait3A_78 = arith.constant 0 : i32
        %dma_wait3A_79 = tpu.memref_slice %arg7[%add3A_54, %dma_wait3A_78] : memref<40x128xi32, #tpu.memory_space<vmem>> -> memref<1x128xi32, #tpu.memory_space<vmem>>
        %dma_wait3A_80 = tpu.memref_squeeze %dma_wait3A_79 : memref<1x128xi32, #tpu.memory_space<vmem>> -> memref<128xi32, #tpu.memory_space<vmem>>
        %dma_wait3A_81 = arith.constant 0 : i32
        %dma_wait3A_82 = arith.constant 0 : i32
        %dma_wait3A_83 = tpu.memref_slice %arg11[%dma_wait3A_81, %dma_wait3A_82] : memref<10240x128xf32, #tpu.memory_space<vmem_shared>> -> memref<10240x128xf32, #tpu.memory_space<vmem_shared>>
        tpu.wait_indirect_dma semaphore(%run_scoped3A : memref<!tpu.dma_semaphore, #tpu.memory_space<semaphore_mem>>) src(%arg8 : memref<128x128xf32, #tpu.memory_space<vmem>>) dst(%dma_wait3A_83 : memref<10240x128xf32, #tpu.memory_space<vmem_shared>>)
        tpu.yield
      }) : () -> ()
      %add3A_60 = arith.constant 2 : i32
      %add3A_61 = arith.addi %add3A_54, %add3A_60 : i32
      %lt3A = arith.constant 40 : i32
      %lt3A_62 = arith.cmpi slt, %add3A_61, %lt3A : i32
      %convert_element_type3A = arith.extui %lt3A_62 : i1 to i32
      %cond3A = arith.constant 0 : i32
      %cond3A_63 = arith.cmpi ne, %convert_element_type3A, %cond3A : i32
      scf.if %cond3A_63 {
        %add3A_72 = arith.constant 2 : i32
        %add3A_73 = arith.addi %add3A_54, %add3A_72 : i32
        %dma_start3A_74 = arith.constant 0 : i32
        %dma_start3A_75 = tpu.memref_slice %arg6[%add3A_73, %dma_start3A_74] : memref<40x128xi32, #tpu.memory_space<vmem>> -> memref<1x128xi32, #tpu.memory_space<vmem>>
        %dma_start3A_76 = tpu.memref_squeeze %dma_start3A_75 : memref<1x128xi32, #tpu.memory_space<vmem>> -> memref<128xi32, #tpu.memory_space<vmem>>
        %dma_start3A_77 = arith.constant 0 : i32
        %dma_start3A_78 = arith.constant 0 : i32
        %dma_start3A_79 = tpu.memref_slice %arg2[%dma_start3A_77, %dma_start3A_78] : memref<5120x128xf32, #tpu.memory_space<hbm>> -> memref<5120x128xf32, #tpu.memory_space<hbm>>
        tpu.enqueue_indirect_dma source(%dma_start3A_79 : memref<5120x128xf32, #tpu.memory_space<hbm>>) target(%arg8 : memref<128x128xf32, #tpu.memory_space<vmem>>) offsets(%dma_start3A_76 : memref<128xi32, #tpu.memory_space<vmem>>) semaphore(%arg12 : memref<!tpu.dma_semaphore, #tpu.memory_space<semaphore_mem>>)
      } else {
      }
      %add3A_64 = arith.constant 1 : i32
      %add3A_65 = arith.addi %mul3A_43, %add3A_64 : i32
      %dma_wait3A_66 = arith.constant 0 : i32
      %dma_wait3A_67 = tpu.memref_slice %arg6[%add3A_65, %dma_wait3A_66] : memref<40x128xi32, #tpu.memory_space<vmem>> -> memref<1x128xi32, #tpu.memory_space<vmem>>
      %dma_wait3A_68 = tpu.memref_squeeze %dma_wait3A_67 : memref<1x128xi32, #tpu.memory_space<vmem>> -> memref<128xi32, #tpu.memory_space<vmem>>
      %dma_wait3A_69 = arith.constant 0 : i32
      %dma_wait3A_70 = arith.constant 0 : i32
      %dma_wait3A_71 = tpu.memref_slice %arg2[%dma_wait3A_69, %dma_wait3A_70] : memref<5120x128xf32, #tpu.memory_space<hbm>> -> memref<5120x128xf32, #tpu.memory_space<hbm>>
      tpu.wait_indirect_dma semaphore(%arg13 : memref<!tpu.dma_semaphore, #tpu.memory_space<semaphore_mem>>) src(%dma_wait3A_71 : memref<5120x128xf32, #tpu.memory_space<hbm>>) dst(%arg9 : memref<128x128xf32, #tpu.memory_space<vmem>>)
      "tpu.region"() ({
        %run_scoped3A = tpu.sem_alloc : memref<!tpu.dma_semaphore, #tpu.memory_space<semaphore_mem>>
        %dma_start3A_72 = arith.constant 0 : i32
        %dma_start3A_73 = tpu.memref_slice %arg7[%add3A_65, %dma_start3A_72] : memref<40x128xi32, #tpu.memory_space<vmem>> -> memref<1x128xi32, #tpu.memory_space<vmem>>
        %dma_start3A_74 = tpu.memref_squeeze %dma_start3A_73 : memref<1x128xi32, #tpu.memory_space<vmem>> -> memref<128xi32, #tpu.memory_space<vmem>>
        %dma_start3A_75 = arith.constant 0 : i32
        %dma_start3A_76 = arith.constant 0 : i32
        %dma_start3A_77 = tpu.memref_slice %arg11[%dma_start3A_75, %dma_start3A_76] : memref<10240x128xf32, #tpu.memory_space<vmem_shared>> -> memref<10240x128xf32, #tpu.memory_space<vmem_shared>>
        tpu.enqueue_indirect_dma source(%arg9 : memref<128x128xf32, #tpu.memory_space<vmem>>) target(%dma_start3A_77 : memref<10240x128xf32, #tpu.memory_space<vmem_shared>>) offsets(%dma_start3A_74 : memref<128xi32, #tpu.memory_space<vmem>>) semaphore(%run_scoped3A : memref<!tpu.dma_semaphore, #tpu.memory_space<semaphore_mem>>) {add = true}
        %dma_wait3A_78 = arith.constant 0 : i32
        %dma_wait3A_79 = tpu.memref_slice %arg7[%add3A_65, %dma_wait3A_78] : memref<40x128xi32, #tpu.memory_space<vmem>> -> memref<1x128xi32, #tpu.memory_space<vmem>>
        %dma_wait3A_80 = tpu.memref_squeeze %dma_wait3A_79 : memref<1x128xi32, #tpu.memory_space<vmem>> -> memref<128xi32, #tpu.memory_space<vmem>>
        %dma_wait3A_81 = arith.constant 0 : i32
        %dma_wait3A_82 = arith.constant 0 : i32
        %dma_wait3A_83 = tpu.memref_slice %arg11[%dma_wait3A_81, %dma_wait3A_82] : memref<10240x128xf32, #tpu.memory_space<vmem_shared>> -> memref<10240x128xf32, #tpu.memory_space<vmem_shared>>
        tpu.wait_indirect_dma semaphore(%run_scoped3A : memref<!tpu.dma_semaphore, #tpu.memory_space<semaphore_mem>>) src(%arg9 : memref<128x128xf32, #tpu.memory_space<vmem>>) dst(%dma_wait3A_83 : memref<10240x128xf32, #tpu.memory_space<vmem_shared>>)
        tpu.yield
      }) : () -> ()
    }
    %scan3A_26 = arith.constant 20 : i32
    "tpu.region"() ({
      %run_scoped3A = tpu.sem_alloc : memref<!tpu.dma_semaphore, #tpu.memory_space<semaphore_mem>>
      %dma_start3A_41 = arith.constant 40 : i32
      %dma_start3A_42 = arith.constant 0 : i32
      %dma_start3A_43 = tpu.memref_slice %arg3[%add3A, %dma_start3A_41, %dma_start3A_42] : memref<32x80x128xi32, #tpu.memory_space<hbm>> -> memref<1x40x128xi32, #tpu.memory_space<hbm>>
      %dma_start3A_44 = tpu.memref_squeeze %dma_start3A_43 : memref<1x40x128xi32, #tpu.memory_space<hbm>> -> memref<40x128xi32, #tpu.memory_space<hbm>>
      %dma_start3A_45 = arith.constant 40 : i32
      %dma_start3A_46 = arith.constant 0 : i32
      %dma_start3A_47 = tpu.memref_slice %arg3[%add3A, %dma_start3A_45, %dma_start3A_46] : memref<32x80x128xi32, #tpu.memory_space<hbm>> -> memref<1x40x128xi32, #tpu.memory_space<hbm>>
      %dma_start3A_48 = tpu.memref_squeeze %dma_start3A_47 : memref<1x40x128xi32, #tpu.memory_space<hbm>> -> memref<40x128xi32, #tpu.memory_space<hbm>>
      tpu.enqueue_dma source(%dma_start3A_48 : memref<40x128xi32, #tpu.memory_space<hbm>>) target(%arg6 : memref<40x128xi32, #tpu.memory_space<vmem>>) target_semaphore(%run_scoped3A : memref<!tpu.dma_semaphore, #tpu.memory_space<semaphore_mem>>)
      %dma_wait3A = arith.constant 40 : i32
      %dma_wait3A_49 = arith.constant 0 : i32
      %dma_wait3A_50 = tpu.memref_slice %arg3[%add3A, %dma_wait3A, %dma_wait3A_49] : memref<32x80x128xi32, #tpu.memory_space<hbm>> -> memref<1x40x128xi32, #tpu.memory_space<hbm>>
      %dma_wait3A_51 = tpu.memref_squeeze %dma_wait3A_50 : memref<1x40x128xi32, #tpu.memory_space<hbm>> -> memref<40x128xi32, #tpu.memory_space<hbm>>
      %dma_wait3A_52 = arith.constant 40 : i32
      %dma_wait3A_53 = arith.constant 0 : i32
      %dma_wait3A_54 = tpu.memref_slice %arg3[%add3A, %dma_wait3A_52, %dma_wait3A_53] : memref<32x80x128xi32, #tpu.memory_space<hbm>> -> memref<1x40x128xi32, #tpu.memory_space<hbm>>
      %dma_wait3A_55 = tpu.memref_squeeze %dma_wait3A_54 : memref<1x40x128xi32, #tpu.memory_space<hbm>> -> memref<40x128xi32, #tpu.memory_space<hbm>>
      tpu.wait_dma2 semaphore(%run_scoped3A : memref<!tpu.dma_semaphore, #tpu.memory_space<semaphore_mem>>) src(%dma_wait3A_55 : memref<40x128xi32, #tpu.memory_space<hbm>>) dst(%arg6 : memref<40x128xi32, #tpu.memory_space<vmem>>)
      tpu.yield
    }) : () -> ()
    "tpu.region"() ({
      %run_scoped3A = tpu.sem_alloc : memref<!tpu.dma_semaphore, #tpu.memory_space<semaphore_mem>>
      %dma_start3A_41 = arith.constant 40 : i32
      %dma_start3A_42 = arith.constant 0 : i32
      %dma_start3A_43 = tpu.memref_slice %arg4[%add3A, %dma_start3A_41, %dma_start3A_42] : memref<32x80x128xi32, #tpu.memory_space<hbm>> -> memref<1x40x128xi32, #tpu.memory_space<hbm>>
      %dma_start3A_44 = tpu.memref_squeeze %dma_start3A_43 : memref<1x40x128xi32, #tpu.memory_space<hbm>> -> memref<40x128xi32, #tpu.memory_space<hbm>>
      %dma_start3A_45 = arith.constant 40 : i32
      %dma_start3A_46 = arith.constant 0 : i32
      %dma_start3A_47 = tpu.memref_slice %arg4[%add3A, %dma_start3A_45, %dma_start3A_46] : memref<32x80x128xi32, #tpu.memory_space<hbm>> -> memref<1x40x128xi32, #tpu.memory_space<hbm>>
      %dma_start3A_48 = tpu.memref_squeeze %dma_start3A_47 : memref<1x40x128xi32, #tpu.memory_space<hbm>> -> memref<40x128xi32, #tpu.memory_space<hbm>>
      tpu.enqueue_dma source(%dma_start3A_48 : memref<40x128xi32, #tpu.memory_space<hbm>>) target(%arg7 : memref<40x128xi32, #tpu.memory_space<vmem>>) target_semaphore(%run_scoped3A : memref<!tpu.dma_semaphore, #tpu.memory_space<semaphore_mem>>)
      %dma_wait3A = arith.constant 40 : i32
      %dma_wait3A_49 = arith.constant 0 : i32
      %dma_wait3A_50 = tpu.memref_slice %arg4[%add3A, %dma_wait3A, %dma_wait3A_49] : memref<32x80x128xi32, #tpu.memory_space<hbm>> -> memref<1x40x128xi32, #tpu.memory_space<hbm>>
      %dma_wait3A_51 = tpu.memref_squeeze %dma_wait3A_50 : memref<1x40x128xi32, #tpu.memory_space<hbm>> -> memref<40x128xi32, #tpu.memory_space<hbm>>
      %dma_wait3A_52 = arith.constant 40 : i32
      %dma_wait3A_53 = arith.constant 0 : i32
      %dma_wait3A_54 = tpu.memref_slice %arg4[%add3A, %dma_wait3A_52, %dma_wait3A_53] : memref<32x80x128xi32, #tpu.memory_space<hbm>> -> memref<1x40x128xi32, #tpu.memory_space<hbm>>
      %dma_wait3A_55 = tpu.memref_squeeze %dma_wait3A_54 : memref<1x40x128xi32, #tpu.memory_space<hbm>> -> memref<40x128xi32, #tpu.memory_space<hbm>>
      tpu.wait_dma2 semaphore(%run_scoped3A : memref<!tpu.dma_semaphore, #tpu.memory_space<semaphore_mem>>) src(%dma_wait3A_55 : memref<40x128xi32, #tpu.memory_space<hbm>>) dst(%arg7 : memref<40x128xi32, #tpu.memory_space<vmem>>)
      tpu.yield
    }) : () -> ()
    %dma_start3A_27 = arith.constant 0 : i32
    %dma_start3A_28 = arith.constant 0 : i32
    %dma_start3A_29 = tpu.memref_slice %arg6[%dma_start3A_27, %dma_start3A_28] : memref<40x128xi32, #tpu.memory_space<vmem>> -> memref<1x128xi32, #tpu.memory_space<vmem>>
    %dma_start3A_30 = tpu.memref_squeeze %dma_start3A_29 : memref<1x128xi32, #tpu.memory_space<vmem>> -> memref<128xi32, #tpu.memory_space<vmem>>
    %dma_start3A_31 = arith.constant 0 : i32
    %dma_start3A_32 = arith.constant 0 : i32
    %dma_start3A_33 = tpu.memref_slice %arg2[%dma_start3A_31, %dma_start3A_32] : memref<5120x128xf32, #tpu.memory_space<hbm>> -> memref<5120x128xf32, #tpu.memory_space<hbm>>
    tpu.enqueue_indirect_dma source(%dma_start3A_33 : memref<5120x128xf32, #tpu.memory_space<hbm>>) target(%arg8 : memref<128x128xf32, #tpu.memory_space<vmem>>) offsets(%dma_start3A_30 : memref<128xi32, #tpu.memory_space<vmem>>) semaphore(%arg12 : memref<!tpu.dma_semaphore, #tpu.memory_space<semaphore_mem>>)
    %scan3A_34 = arith.constant 0 : i32
    %scan3A_35 = arith.constant 0 : i32
    %scan3A_36 = arith.constant 20 : i32
    %scan3A_37 = arith.addi %scan3A_35, %scan3A_36 : i32
    %scan3A_38 = arith.constant 1 : i32
    scf.for %scan3A_41 = %scan3A_35 to %scan3A_37 step %scan3A_38  : i32 {
      %mul3A_42 = arith.constant 2 : i32
      %mul3A_43 = arith.muli %mul3A_42, %scan3A_41 : i32
      %add3A_44 = arith.constant 2 : i32
      %add3A_45 = arith.addi %mul3A_43, %add3A_44 : i32
      %sub3A = arith.constant 1 : i32
      %sub3A_46 = arith.subi %add3A_45, %sub3A : i32
      %dma_start3A_47 = arith.constant 0 : i32
      %dma_start3A_48 = tpu.memref_slice %arg6[%sub3A_46, %dma_start3A_47] : memref<40x128xi32, #tpu.memory_space<vmem>> -> memref<1x128xi32, #tpu.memory_space<vmem>>
      %dma_start3A_49 = tpu.memref_squeeze %dma_start3A_48 : memref<1x128xi32, #tpu.memory_space<vmem>> -> memref<128xi32, #tpu.memory_space<vmem>>
      %dma_start3A_50 = arith.constant 0 : i32
      %dma_start3A_51 = arith.constant 0 : i32
      %dma_start3A_52 = tpu.memref_slice %arg2[%dma_start3A_50, %dma_start3A_51] : memref<5120x128xf32, #tpu.memory_space<hbm>> -> memref<5120x128xf32, #tpu.memory_space<hbm>>
      tpu.enqueue_indirect_dma source(%dma_start3A_52 : memref<5120x128xf32, #tpu.memory_space<hbm>>) target(%arg9 : memref<128x128xf32, #tpu.memory_space<vmem>>) offsets(%dma_start3A_49 : memref<128xi32, #tpu.memory_space<vmem>>) semaphore(%arg13 : memref<!tpu.dma_semaphore, #tpu.memory_space<semaphore_mem>>)
      %add3A_53 = arith.constant 0 : i32
      %add3A_54 = arith.addi %mul3A_43, %add3A_53 : i32
      %dma_wait3A = arith.constant 0 : i32
      %dma_wait3A_55 = tpu.memref_slice %arg6[%add3A_54, %dma_wait3A] : memref<40x128xi32, #tpu.memory_space<vmem>> -> memref<1x128xi32, #tpu.memory_space<vmem>>
      %dma_wait3A_56 = tpu.memref_squeeze %dma_wait3A_55 : memref<1x128xi32, #tpu.memory_space<vmem>> -> memref<128xi32, #tpu.memory_space<vmem>>
      %dma_wait3A_57 = arith.constant 0 : i32
      %dma_wait3A_58 = arith.constant 0 : i32
      %dma_wait3A_59 = tpu.memref_slice %arg2[%dma_wait3A_57, %dma_wait3A_58] : memref<5120x128xf32, #tpu.memory_space<hbm>> -> memref<5120x128xf32, #tpu.memory_space<hbm>>
      tpu.wait_indirect_dma semaphore(%arg12 : memref<!tpu.dma_semaphore, #tpu.memory_space<semaphore_mem>>) src(%dma_wait3A_59 : memref<5120x128xf32, #tpu.memory_space<hbm>>) dst(%arg8 : memref<128x128xf32, #tpu.memory_space<vmem>>)
      "tpu.region"() ({
        %run_scoped3A = tpu.sem_alloc : memref<!tpu.dma_semaphore, #tpu.memory_space<semaphore_mem>>
        %dma_start3A_72 = arith.constant 0 : i32
        %dma_start3A_73 = tpu.memref_slice %arg7[%add3A_54, %dma_start3A_72] : memref<40x128xi32, #tpu.memory_space<vmem>> -> memref<1x128xi32, #tpu.memory_space<vmem>>
        %dma_start3A_74 = tpu.memref_squeeze %dma_start3A_73 : memref<1x128xi32, #tpu.memory_space<vmem>> -> memref<128xi32, #tpu.memory_space<vmem>>
        %dma_start3A_75 = arith.constant 0 : i32
        %dma_start3A_76 = arith.constant 0 : i32
        %dma_start3A_77 = tpu.memref_slice %arg11[%dma_start3A_75, %dma_start3A_76] : memref<10240x128xf32, #tpu.memory_space<vmem_shared>> -> memref<10240x128xf32, #tpu.memory_space<vmem_shared>>
        tpu.enqueue_indirect_dma source(%arg8 : memref<128x128xf32, #tpu.memory_space<vmem>>) target(%dma_start3A_77 : memref<10240x128xf32, #tpu.memory_space<vmem_shared>>) offsets(%dma_start3A_74 : memref<128xi32, #tpu.memory_space<vmem>>) semaphore(%run_scoped3A : memref<!tpu.dma_semaphore, #tpu.memory_space<semaphore_mem>>) {add = true}
        %dma_wait3A_78 = arith.constant 0 : i32
        %dma_wait3A_79 = tpu.memref_slice %arg7[%add3A_54, %dma_wait3A_78] : memref<40x128xi32, #tpu.memory_space<vmem>> -> memref<1x128xi32, #tpu.memory_space<vmem>>
        %dma_wait3A_80 = tpu.memref_squeeze %dma_wait3A_79 : memref<1x128xi32, #tpu.memory_space<vmem>> -> memref<128xi32, #tpu.memory_space<vmem>>
        %dma_wait3A_81 = arith.constant 0 : i32
        %dma_wait3A_82 = arith.constant 0 : i32
        %dma_wait3A_83 = tpu.memref_slice %arg11[%dma_wait3A_81, %dma_wait3A_82] : memref<10240x128xf32, #tpu.memory_space<vmem_shared>> -> memref<10240x128xf32, #tpu.memory_space<vmem_shared>>
        tpu.wait_indirect_dma semaphore(%run_scoped3A : memref<!tpu.dma_semaphore, #tpu.memory_space<semaphore_mem>>) src(%arg8 : memref<128x128xf32, #tpu.memory_space<vmem>>) dst(%dma_wait3A_83 : memref<10240x128xf32, #tpu.memory_space<vmem_shared>>)
        tpu.yield
      }) : () -> ()
      %add3A_60 = arith.constant 2 : i32
      %add3A_61 = arith.addi %add3A_54, %add3A_60 : i32
      %lt3A = arith.constant 40 : i32
      %lt3A_62 = arith.cmpi slt, %add3A_61, %lt3A : i32
      %convert_element_type3A = arith.extui %lt3A_62 : i1 to i32
      %cond3A = arith.constant 0 : i32
      %cond3A_63 = arith.cmpi ne, %convert_element_type3A, %cond3A : i32
      scf.if %cond3A_63 {
        %add3A_72 = arith.constant 2 : i32
        %add3A_73 = arith.addi %add3A_54, %add3A_72 : i32
        %dma_start3A_74 = arith.constant 0 : i32
        %dma_start3A_75 = tpu.memref_slice %arg6[%add3A_73, %dma_start3A_74] : memref<40x128xi32, #tpu.memory_space<vmem>> -> memref<1x128xi32, #tpu.memory_space<vmem>>
        %dma_start3A_76 = tpu.memref_squeeze %dma_start3A_75 : memref<1x128xi32, #tpu.memory_space<vmem>> -> memref<128xi32, #tpu.memory_space<vmem>>
        %dma_start3A_77 = arith.constant 0 : i32
        %dma_start3A_78 = arith.constant 0 : i32
        %dma_start3A_79 = tpu.memref_slice %arg2[%dma_start3A_77, %dma_start3A_78] : memref<5120x128xf32, #tpu.memory_space<hbm>> -> memref<5120x128xf32, #tpu.memory_space<hbm>>
        tpu.enqueue_indirect_dma source(%dma_start3A_79 : memref<5120x128xf32, #tpu.memory_space<hbm>>) target(%arg8 : memref<128x128xf32, #tpu.memory_space<vmem>>) offsets(%dma_start3A_76 : memref<128xi32, #tpu.memory_space<vmem>>) semaphore(%arg12 : memref<!tpu.dma_semaphore, #tpu.memory_space<semaphore_mem>>)
      } else {
      }
      %add3A_64 = arith.constant 1 : i32
      %add3A_65 = arith.addi %mul3A_43, %add3A_64 : i32
      %dma_wait3A_66 = arith.constant 0 : i32
      %dma_wait3A_67 = tpu.memref_slice %arg6[%add3A_65, %dma_wait3A_66] : memref<40x128xi32, #tpu.memory_space<vmem>> -> memref<1x128xi32, #tpu.memory_space<vmem>>
      %dma_wait3A_68 = tpu.memref_squeeze %dma_wait3A_67 : memref<1x128xi32, #tpu.memory_space<vmem>> -> memref<128xi32, #tpu.memory_space<vmem>>
      %dma_wait3A_69 = arith.constant 0 : i32
      %dma_wait3A_70 = arith.constant 0 : i32
      %dma_wait3A_71 = tpu.memref_slice %arg2[%dma_wait3A_69, %dma_wait3A_70] : memref<5120x128xf32, #tpu.memory_space<hbm>> -> memref<5120x128xf32, #tpu.memory_space<hbm>>
      tpu.wait_indirect_dma semaphore(%arg13 : memref<!tpu.dma_semaphore, #tpu.memory_space<semaphore_mem>>) src(%dma_wait3A_71 : memref<5120x128xf32, #tpu.memory_space<hbm>>) dst(%arg9 : memref<128x128xf32, #tpu.memory_space<vmem>>)
      "tpu.region"() ({
        %run_scoped3A = tpu.sem_alloc : memref<!tpu.dma_semaphore, #tpu.memory_space<semaphore_mem>>
        %dma_start3A_72 = arith.constant 0 : i32
        %dma_start3A_73 = tpu.memref_slice %arg7[%add3A_65, %dma_start3A_72] : memref<40x128xi32, #tpu.memory_space<vmem>> -> memref<1x128xi32, #tpu.memory_space<vmem>>
        %dma_start3A_74 = tpu.memref_squeeze %dma_start3A_73 : memref<1x128xi32, #tpu.memory_space<vmem>> -> memref<128xi32, #tpu.memory_space<vmem>>
        %dma_start3A_75 = arith.constant 0 : i32
        %dma_start3A_76 = arith.constant 0 : i32
        %dma_start3A_77 = tpu.memref_slice %arg11[%dma_start3A_75, %dma_start3A_76] : memref<10240x128xf32, #tpu.memory_space<vmem_shared>> -> memref<10240x128xf32, #tpu.memory_space<vmem_shared>>
        tpu.enqueue_indirect_dma source(%arg9 : memref<128x128xf32, #tpu.memory_space<vmem>>) target(%dma_start3A_77 : memref<10240x128xf32, #tpu.memory_space<vmem_shared>>) offsets(%dma_start3A_74 : memref<128xi32, #tpu.memory_space<vmem>>) semaphore(%run_scoped3A : memref<!tpu.dma_semaphore, #tpu.memory_space<semaphore_mem>>) {add = true}
        %dma_wait3A_78 = arith.constant 0 : i32
        %dma_wait3A_79 = tpu.memref_slice %arg7[%add3A_65, %dma_wait3A_78] : memref<40x128xi32, #tpu.memory_space<vmem>> -> memref<1x128xi32, #tpu.memory_space<vmem>>
        %dma_wait3A_80 = tpu.memref_squeeze %dma_wait3A_79 : memref<1x128xi32, #tpu.memory_space<vmem>> -> memref<128xi32, #tpu.memory_space<vmem>>
        %dma_wait3A_81 = arith.constant 0 : i32
        %dma_wait3A_82 = arith.constant 0 : i32
        %dma_wait3A_83 = tpu.memref_slice %arg11[%dma_wait3A_81, %dma_wait3A_82] : memref<10240x128xf32, #tpu.memory_space<vmem_shared>> -> memref<10240x128xf32, #tpu.memory_space<vmem_shared>>
        tpu.wait_indirect_dma semaphore(%run_scoped3A : memref<!tpu.dma_semaphore, #tpu.memory_space<semaphore_mem>>) src(%arg9 : memref<128x128xf32, #tpu.memory_space<vmem>>) dst(%dma_wait3A_83 : memref<10240x128xf32, #tpu.memory_space<vmem_shared>>)
        tpu.yield
      }) : () -> ()
    }
    %scan3A_39 = arith.constant 20 : i32
    %barrier3A_40 = arith.constant 0 : index
    tpu.barrier barrier_id(%barrier3A_40)
    "tpu.region"() ({
      %run_scoped3A = tpu.sem_alloc : memref<!tpu.dma_semaphore, #tpu.memory_space<semaphore_mem>>
      %dma_start3A_41 = arith.constant 0 : i32
      %dma_start3A_42 = tpu.memref_slice %arg5[%arg0, %mul3A_8, %dma_start3A_41] : memref<2x10240x128xf32, #tpu.memory_space<hbm>> -> memref<1x640x128xf32, #tpu.memory_space<hbm>>
      %dma_start3A_43 = tpu.memref_squeeze %dma_start3A_42 : memref<1x640x128xf32, #tpu.memory_space<hbm>> -> memref<640x128xf32, #tpu.memory_space<hbm>>
      %dma_start3A_44 = arith.constant 0 : i32
      %dma_start3A_45 = tpu.memref_slice %arg11[%mul3A_8, %dma_start3A_44] : memref<10240x128xf32, #tpu.memory_space<vmem_shared>> -> memref<640x128xf32, #tpu.memory_space<vmem_shared>>
      tpu.enqueue_dma source(%dma_start3A_45 : memref<640x128xf32, #tpu.memory_space<vmem_shared>>) target(%dma_start3A_43 : memref<640x128xf32, #tpu.memory_space<hbm>>) target_semaphore(%run_scoped3A : memref<!tpu.dma_semaphore, #tpu.memory_space<semaphore_mem>>)
      %dma_wait3A = arith.constant 0 : i32
      %dma_wait3A_46 = tpu.memref_slice %arg5[%arg0, %mul3A_8, %dma_wait3A] : memref<2x10240x128xf32, #tpu.memory_space<hbm>> -> memref<1x640x128xf32, #tpu.memory_space<hbm>>
      %dma_wait3A_47 = tpu.memref_squeeze %dma_wait3A_46 : memref<1x640x128xf32, #tpu.memory_space<hbm>> -> memref<640x128xf32, #tpu.memory_space<hbm>>
      %dma_wait3A_48 = arith.constant 0 : i32
      %dma_wait3A_49 = tpu.memref_slice %arg11[%mul3A_8, %dma_wait3A_48] : memref<10240x128xf32, #tpu.memory_space<vmem_shared>> -> memref<640x128xf32, #tpu.memory_space<vmem_shared>>
      tpu.wait_dma2 semaphore(%run_scoped3A : memref<!tpu.dma_semaphore, #tpu.memory_space<semaphore_mem>>) src(%dma_wait3A_49 : memref<640x128xf32, #tpu.memory_space<vmem_shared>>) dst(%dma_wait3A_47 : memref<640x128xf32, #tpu.memory_space<hbm>>)
      tpu.yield
    }) : () -> ()
    return
  }
}

#map = affine_map<(d0, d1) -> (0, 0)>
#map1 = affine_map<(d0, d1) -> (0, 0, 0)>
module attributes {stable_mosaic.version = 14 : i64} {
  func.func @seg(%arg0: i32, %arg1: i32, %arg2: memref<10000x128xf32, #tpu.memory_space<hbm>>, %arg3: memref<32x80x128xi32, #tpu.memory_space<hbm>>, %arg4: memref<32x80x128xi32, #tpu.memory_space<hbm>>, %arg5: memref<2x5120x128xf32, #tpu.memory_space<hbm>>, %arg6: memref<80x128xi32, #tpu.memory_space<vmem>>, %arg7: memref<80x128xi32, #tpu.memory_space<vmem>>, %arg8: memref<128x128xf32, #tpu.memory_space<vmem>>, %arg9: memref<128x128xf32, #tpu.memory_space<vmem>>, %arg10: memref<128x128xf32, #tpu.memory_space<vmem>>, %arg11: memref<128x128xf32, #tpu.memory_space<vmem>>, %arg12: memref<8x128xf32, #tpu.memory_space<vmem>>, %arg13: memref<5120x128xf32, #tpu.memory_space<vmem_shared>>, %arg14: memref<!tpu.dma_semaphore, #tpu.memory_space<semaphore_mem>>, %arg15: memref<!tpu.dma_semaphore, #tpu.memory_space<semaphore_mem>>, %arg16: memref<!tpu.dma_semaphore, #tpu.memory_space<semaphore_mem>>, %arg17: memref<!tpu.dma_semaphore, #tpu.memory_space<semaphore_mem>>) attributes {dimension_semantics = [#tpu.dimension_semantics<core_parallel>, #tpu.dimension_semantics<subcore_parallel>], iteration_bounds = array<i64: 2, 16>, scalar_prefetch = 0 : i64, scratch_operands = 12 : i64, tpu.core_type = #tpu.core_type<sc_vector_subcore>, window_params = [{transform_indices = #map}, {transform_indices = #map1}, {transform_indices = #map1}, {transform_indices = #map1}]} {
    %mul3A = arith.constant 16 : i32
    %mul3A_0 = arith.muli %arg0, %mul3A : i32
    %add3A = arith.addi %mul3A_0, %arg1 : i32
    %broadcast_in_dim3A = arith.constant 0.000000e+00 : f32
    %broadcast_in_dim3A_1 = vector.broadcast %broadcast_in_dim3A : f32 to vector<16xf32>
    %scan3A = arith.constant 0 : i32
    %scan3A_2 = arith.constant 0 : i32
    %scan3A_3 = arith.constant 8 : i32
    %scan3A_4 = arith.addi %scan3A_2, %scan3A_3 : i32
    %scan3A_5 = arith.constant 1 : i32
    scf.for %scan3A_42 = %scan3A_2 to %scan3A_4 step %scan3A_5  : i32 {
      %swap3A = arith.index_cast %scan3A_42 : i32 to index
      %swap3A_43 = arith.constant 0 : index
      %swap3A_44 = tpu.vector_load %arg12[%swap3A, %swap3A_43] {strides = array<i32>} : memref<8x128xf32, #tpu.memory_space<vmem>>, vector<1x16xf32>,
      %swap3A_45 = vector.shape_cast %swap3A_44 : vector<1x16xf32> to vector<16xf32>
      %swap3A_46 = vector.shape_cast %broadcast_in_dim3A_1 : vector<16xf32> to vector<1x16xf32>
      tpu.vector_store %arg12[%swap3A, %swap3A_43], %swap3A_46 {strides = array<i32>} : memref<8x128xf32, #tpu.memory_space<vmem>>, vector<1x16xf32>,
      %swap3A_47 = arith.index_cast %scan3A_42 : i32 to index
      %swap3A_48 = arith.constant 16 : index
      %swap3A_49 = tpu.vector_load %arg12[%swap3A_47, %swap3A_48] {strides = array<i32>} : memref<8x128xf32, #tpu.memory_space<vmem>>, vector<1x16xf32>,
      %swap3A_50 = vector.shape_cast %swap3A_49 : vector<1x16xf32> to vector<16xf32>
      %swap3A_51 = vector.shape_cast %broadcast_in_dim3A_1 : vector<16xf32> to vector<1x16xf32>
      tpu.vector_store %arg12[%swap3A_47, %swap3A_48], %swap3A_51 {strides = array<i32>} : memref<8x128xf32, #tpu.memory_space<vmem>>, vector<1x16xf32>,
      %swap3A_52 = arith.index_cast %scan3A_42 : i32 to index
      %swap3A_53 = arith.constant 32 : index
      %swap3A_54 = tpu.vector_load %arg12[%swap3A_52, %swap3A_53] {strides = array<i32>} : memref<8x128xf32, #tpu.memory_space<vmem>>, vector<1x16xf32>,
      %swap3A_55 = vector.shape_cast %swap3A_54 : vector<1x16xf32> to vector<16xf32>
      %swap3A_56 = vector.shape_cast %broadcast_in_dim3A_1 : vector<16xf32> to vector<1x16xf32>
      tpu.vector_store %arg12[%swap3A_52, %swap3A_53], %swap3A_56 {strides = array<i32>} : memref<8x128xf32, #tpu.memory_space<vmem>>, vector<1x16xf32>,
      %swap3A_57 = arith.index_cast %scan3A_42 : i32 to index
      %swap3A_58 = arith.constant 48 : index
      %swap3A_59 = tpu.vector_load %arg12[%swap3A_57, %swap3A_58] {strides = array<i32>} : memref<8x128xf32, #tpu.memory_space<vmem>>, vector<1x16xf32>,
      %swap3A_60 = vector.shape_cast %swap3A_59 : vector<1x16xf32> to vector<16xf32>
      %swap3A_61 = vector.shape_cast %broadcast_in_dim3A_1 : vector<16xf32> to vector<1x16xf32>
      tpu.vector_store %arg12[%swap3A_57, %swap3A_58], %swap3A_61 {strides = array<i32>} : memref<8x128xf32, #tpu.memory_space<vmem>>, vector<1x16xf32>,
      %swap3A_62 = arith.index_cast %scan3A_42 : i32 to index
      %swap3A_63 = arith.constant 64 : index
      %swap3A_64 = tpu.vector_load %arg12[%swap3A_62, %swap3A_63] {strides = array<i32>} : memref<8x128xf32, #tpu.memory_space<vmem>>, vector<1x16xf32>,
      %swap3A_65 = vector.shape_cast %swap3A_64 : vector<1x16xf32> to vector<16xf32>
      %swap3A_66 = vector.shape_cast %broadcast_in_dim3A_1 : vector<16xf32> to vector<1x16xf32>
      tpu.vector_store %arg12[%swap3A_62, %swap3A_63], %swap3A_66 {strides = array<i32>} : memref<8x128xf32, #tpu.memory_space<vmem>>, vector<1x16xf32>,
      %swap3A_67 = arith.index_cast %scan3A_42 : i32 to index
      %swap3A_68 = arith.constant 80 : index
      %swap3A_69 = tpu.vector_load %arg12[%swap3A_67, %swap3A_68] {strides = array<i32>} : memref<8x128xf32, #tpu.memory_space<vmem>>, vector<1x16xf32>,
      %swap3A_70 = vector.shape_cast %swap3A_69 : vector<1x16xf32> to vector<16xf32>
      %swap3A_71 = vector.shape_cast %broadcast_in_dim3A_1 : vector<16xf32> to vector<1x16xf32>
      tpu.vector_store %arg12[%swap3A_67, %swap3A_68], %swap3A_71 {strides = array<i32>} : memref<8x128xf32, #tpu.memory_space<vmem>>, vector<1x16xf32>,
      %swap3A_72 = arith.index_cast %scan3A_42 : i32 to index
      %swap3A_73 = arith.constant 96 : index
      %swap3A_74 = tpu.vector_load %arg12[%swap3A_72, %swap3A_73] {strides = array<i32>} : memref<8x128xf32, #tpu.memory_space<vmem>>, vector<1x16xf32>,
      %swap3A_75 = vector.shape_cast %swap3A_74 : vector<1x16xf32> to vector<16xf32>
      %swap3A_76 = vector.shape_cast %broadcast_in_dim3A_1 : vector<16xf32> to vector<1x16xf32>
      tpu.vector_store %arg12[%swap3A_72, %swap3A_73], %swap3A_76 {strides = array<i32>} : memref<8x128xf32, #tpu.memory_space<vmem>>, vector<1x16xf32>,
      %swap3A_77 = arith.index_cast %scan3A_42 : i32 to index
      %swap3A_78 = arith.constant 112 : index
      %swap3A_79 = tpu.vector_load %arg12[%swap3A_77, %swap3A_78] {strides = array<i32>} : memref<8x128xf32, #tpu.memory_space<vmem>>, vector<1x16xf32>,
      %swap3A_80 = vector.shape_cast %swap3A_79 : vector<1x16xf32> to vector<16xf32>
      %swap3A_81 = vector.shape_cast %broadcast_in_dim3A_1 : vector<16xf32> to vector<1x16xf32>
      tpu.vector_store %arg12[%swap3A_77, %swap3A_78], %swap3A_81 {strides = array<i32>} : memref<8x128xf32, #tpu.memory_space<vmem>>, vector<1x16xf32>,
    }
    %scan3A_6 = arith.constant 8 : i32
    %mul3A_7 = arith.constant 320 : i32
    %mul3A_8 = arith.muli %arg1, %mul3A_7 : i32
    %scan3A_9 = arith.constant 0 : i32
    %scan3A_10 = arith.constant 0 : i32
    %scan3A_11 = arith.constant 40 : i32
    %scan3A_12 = arith.addi %scan3A_10, %scan3A_11 : i32
    %scan3A_13 = arith.constant 1 : i32
    scf.for %scan3A_42 = %scan3A_10 to %scan3A_12 step %scan3A_13  : i32 {
      %mul3A_43 = arith.constant 8 : i32
      %mul3A_44 = arith.muli %scan3A_42, %mul3A_43 : i32
      %add3A_45 = arith.addi %mul3A_8, %mul3A_44 : i32
      "tpu.region"() ({
        %run_scoped3A = tpu.sem_alloc : memref<!tpu.dma_semaphore, #tpu.memory_space<semaphore_mem>>
        %dma_start3A_46 = arith.constant 0 : i32
        %dma_start3A_47 = tpu.memref_slice %arg13[%add3A_45, %dma_start3A_46] : memref<5120x128xf32, #tpu.memory_space<vmem_shared>> -> memref<8x128xf32, #tpu.memory_space<vmem_shared>>
        %dma_start3A_48 = arith.constant 0 : i32
        %dma_start3A_49 = tpu.memref_slice %arg13[%add3A_45, %dma_start3A_48] : memref<5120x128xf32, #tpu.memory_space<vmem_shared>> -> memref<8x128xf32, #tpu.memory_space<vmem_shared>>
        tpu.enqueue_dma source(%arg12 : memref<8x128xf32, #tpu.memory_space<vmem>>) target(%dma_start3A_49 : memref<8x128xf32, #tpu.memory_space<vmem_shared>>) target_semaphore(%run_scoped3A : memref<!tpu.dma_semaphore, #tpu.memory_space<semaphore_mem>>)
        %dma_wait3A = arith.constant 0 : i32
        %dma_wait3A_50 = tpu.memref_slice %arg13[%add3A_45, %dma_wait3A] : memref<5120x128xf32, #tpu.memory_space<vmem_shared>> -> memref<8x128xf32, #tpu.memory_space<vmem_shared>>
        %dma_wait3A_51 = arith.constant 0 : i32
        %dma_wait3A_52 = tpu.memref_slice %arg13[%add3A_45, %dma_wait3A_51] : memref<5120x128xf32, #tpu.memory_space<vmem_shared>> -> memref<8x128xf32, #tpu.memory_space<vmem_shared>>
        tpu.wait_dma2 semaphore(%run_scoped3A : memref<!tpu.dma_semaphore, #tpu.memory_space<semaphore_mem>>) src(%arg12 : memref<8x128xf32, #tpu.memory_space<vmem>>) dst(%dma_wait3A_52 : memref<8x128xf32, #tpu.memory_space<vmem_shared>>)
        tpu.yield
      }) : () -> ()
    }
    %scan3A_14 = arith.constant 40 : i32
    %barrier3A = arith.constant 0 : index
    tpu.barrier barrier_id(%barrier3A)
    "tpu.region"() ({
      %run_scoped3A = tpu.sem_alloc : memref<!tpu.dma_semaphore, #tpu.memory_space<semaphore_mem>>
      %dma_start3A_42 = arith.constant 0 : i32
      %dma_start3A_43 = arith.constant 0 : i32
      %dma_start3A_44 = tpu.memref_slice %arg3[%add3A, %dma_start3A_42, %dma_start3A_43] : memref<32x80x128xi32, #tpu.memory_space<hbm>> -> memref<1x80x128xi32, #tpu.memory_space<hbm>>
      %dma_start3A_45 = tpu.memref_squeeze %dma_start3A_44 : memref<1x80x128xi32, #tpu.memory_space<hbm>> -> memref<80x128xi32, #tpu.memory_space<hbm>>
      %dma_start3A_46 = arith.constant 0 : i32
      %dma_start3A_47 = arith.constant 0 : i32
      %dma_start3A_48 = tpu.memref_slice %arg3[%add3A, %dma_start3A_46, %dma_start3A_47] : memref<32x80x128xi32, #tpu.memory_space<hbm>> -> memref<1x80x128xi32, #tpu.memory_space<hbm>>
      %dma_start3A_49 = tpu.memref_squeeze %dma_start3A_48 : memref<1x80x128xi32, #tpu.memory_space<hbm>> -> memref<80x128xi32, #tpu.memory_space<hbm>>
      tpu.enqueue_dma source(%dma_start3A_49 : memref<80x128xi32, #tpu.memory_space<hbm>>) target(%arg6 : memref<80x128xi32, #tpu.memory_space<vmem>>) target_semaphore(%run_scoped3A : memref<!tpu.dma_semaphore, #tpu.memory_space<semaphore_mem>>)
      %dma_wait3A = arith.constant 0 : i32
      %dma_wait3A_50 = arith.constant 0 : i32
      %dma_wait3A_51 = tpu.memref_slice %arg3[%add3A, %dma_wait3A, %dma_wait3A_50] : memref<32x80x128xi32, #tpu.memory_space<hbm>> -> memref<1x80x128xi32, #tpu.memory_space<hbm>>
      %dma_wait3A_52 = tpu.memref_squeeze %dma_wait3A_51 : memref<1x80x128xi32, #tpu.memory_space<hbm>> -> memref<80x128xi32, #tpu.memory_space<hbm>>
      %dma_wait3A_53 = arith.constant 0 : i32
      %dma_wait3A_54 = arith.constant 0 : i32
      %dma_wait3A_55 = tpu.memref_slice %arg3[%add3A, %dma_wait3A_53, %dma_wait3A_54] : memref<32x80x128xi32, #tpu.memory_space<hbm>> -> memref<1x80x128xi32, #tpu.memory_space<hbm>>
      %dma_wait3A_56 = tpu.memref_squeeze %dma_wait3A_55 : memref<1x80x128xi32, #tpu.memory_space<hbm>> -> memref<80x128xi32, #tpu.memory_space<hbm>>
      tpu.wait_dma2 semaphore(%run_scoped3A : memref<!tpu.dma_semaphore, #tpu.memory_space<semaphore_mem>>) src(%dma_wait3A_56 : memref<80x128xi32, #tpu.memory_space<hbm>>) dst(%arg6 : memref<80x128xi32, #tpu.memory_space<vmem>>)
      tpu.yield
    }) : () -> ()
    "tpu.region"() ({
      %run_scoped3A = tpu.sem_alloc : memref<!tpu.dma_semaphore, #tpu.memory_space<semaphore_mem>>
      %dma_start3A_42 = arith.constant 0 : i32
      %dma_start3A_43 = arith.constant 0 : i32
      %dma_start3A_44 = tpu.memref_slice %arg4[%add3A, %dma_start3A_42, %dma_start3A_43] : memref<32x80x128xi32, #tpu.memory_space<hbm>> -> memref<1x80x128xi32, #tpu.memory_space<hbm>>
      %dma_start3A_45 = tpu.memref_squeeze %dma_start3A_44 : memref<1x80x128xi32, #tpu.memory_space<hbm>> -> memref<80x128xi32, #tpu.memory_space<hbm>>
      %dma_start3A_46 = arith.constant 0 : i32
      %dma_start3A_47 = arith.constant 0 : i32
      %dma_start3A_48 = tpu.memref_slice %arg4[%add3A, %dma_start3A_46, %dma_start3A_47] : memref<32x80x128xi32, #tpu.memory_space<hbm>> -> memref<1x80x128xi32, #tpu.memory_space<hbm>>
      %dma_start3A_49 = tpu.memref_squeeze %dma_start3A_48 : memref<1x80x128xi32, #tpu.memory_space<hbm>> -> memref<80x128xi32, #tpu.memory_space<hbm>>
      tpu.enqueue_dma source(%dma_start3A_49 : memref<80x128xi32, #tpu.memory_space<hbm>>) target(%arg7 : memref<80x128xi32, #tpu.memory_space<vmem>>) target_semaphore(%run_scoped3A : memref<!tpu.dma_semaphore, #tpu.memory_space<semaphore_mem>>)
      %dma_wait3A = arith.constant 0 : i32
      %dma_wait3A_50 = arith.constant 0 : i32
      %dma_wait3A_51 = tpu.memref_slice %arg4[%add3A, %dma_wait3A, %dma_wait3A_50] : memref<32x80x128xi32, #tpu.memory_space<hbm>> -> memref<1x80x128xi32, #tpu.memory_space<hbm>>
      %dma_wait3A_52 = tpu.memref_squeeze %dma_wait3A_51 : memref<1x80x128xi32, #tpu.memory_space<hbm>> -> memref<80x128xi32, #tpu.memory_space<hbm>>
      %dma_wait3A_53 = arith.constant 0 : i32
      %dma_wait3A_54 = arith.constant 0 : i32
      %dma_wait3A_55 = tpu.memref_slice %arg4[%add3A, %dma_wait3A_53, %dma_wait3A_54] : memref<32x80x128xi32, #tpu.memory_space<hbm>> -> memref<1x80x128xi32, #tpu.memory_space<hbm>>
      %dma_wait3A_56 = tpu.memref_squeeze %dma_wait3A_55 : memref<1x80x128xi32, #tpu.memory_space<hbm>> -> memref<80x128xi32, #tpu.memory_space<hbm>>
      tpu.wait_dma2 semaphore(%run_scoped3A : memref<!tpu.dma_semaphore, #tpu.memory_space<semaphore_mem>>) src(%dma_wait3A_56 : memref<80x128xi32, #tpu.memory_space<hbm>>) dst(%arg7 : memref<80x128xi32, #tpu.memory_space<vmem>>)
      tpu.yield
    }) : () -> ()
    %dma_start3A = arith.constant 0 : i32
    %dma_start3A_15 = arith.constant 0 : i32
    %dma_start3A_16 = tpu.memref_slice %arg6[%dma_start3A, %dma_start3A_15] : memref<80x128xi32, #tpu.memory_space<vmem>> -> memref<1x128xi32, #tpu.memory_space<vmem>>
    %dma_start3A_17 = tpu.memref_squeeze %dma_start3A_16 : memref<1x128xi32, #tpu.memory_space<vmem>> -> memref<128xi32, #tpu.memory_space<vmem>>
    %dma_start3A_18 = arith.constant 0 : i32
    %dma_start3A_19 = arith.constant 0 : i32
    %dma_start3A_20 = tpu.memref_slice %arg2[%dma_start3A_18, %dma_start3A_19] : memref<10000x128xf32, #tpu.memory_space<hbm>> -> memref<10000x128xf32, #tpu.memory_space<hbm>>
    tpu.enqueue_indirect_dma source(%dma_start3A_20 : memref<10000x128xf32, #tpu.memory_space<hbm>>) target(%arg8 : memref<128x128xf32, #tpu.memory_space<vmem>>) offsets(%dma_start3A_17 : memref<128xi32, #tpu.memory_space<vmem>>) semaphore(%arg14 : memref<!tpu.dma_semaphore, #tpu.memory_space<semaphore_mem>>)
    %dma_start3A_21 = arith.constant 1 : i32
    %dma_start3A_22 = arith.constant 0 : i32
    %dma_start3A_23 = tpu.memref_slice %arg6[%dma_start3A_21, %dma_start3A_22] : memref<80x128xi32, #tpu.memory_space<vmem>> -> memref<1x128xi32, #tpu.memory_space<vmem>>
    %dma_start3A_24 = tpu.memref_squeeze %dma_start3A_23 : memref<1x128xi32, #tpu.memory_space<vmem>> -> memref<128xi32, #tpu.memory_space<vmem>>
    %dma_start3A_25 = arith.constant 0 : i32
    %dma_start3A_26 = arith.constant 0 : i32
    %dma_start3A_27 = tpu.memref_slice %arg2[%dma_start3A_25, %dma_start3A_26] : memref<10000x128xf32, #tpu.memory_space<hbm>> -> memref<10000x128xf32, #tpu.memory_space<hbm>>
    tpu.enqueue_indirect_dma source(%dma_start3A_27 : memref<10000x128xf32, #tpu.memory_space<hbm>>) target(%arg9 : memref<128x128xf32, #tpu.memory_space<vmem>>) offsets(%dma_start3A_24 : memref<128xi32, #tpu.memory_space<vmem>>) semaphore(%arg15 : memref<!tpu.dma_semaphore, #tpu.memory_space<semaphore_mem>>)
    %dma_start3A_28 = arith.constant 2 : i32
    %dma_start3A_29 = arith.constant 0 : i32
    %dma_start3A_30 = tpu.memref_slice %arg6[%dma_start3A_28, %dma_start3A_29] : memref<80x128xi32, #tpu.memory_space<vmem>> -> memref<1x128xi32, #tpu.memory_space<vmem>>
    %dma_start3A_31 = tpu.memref_squeeze %dma_start3A_30 : memref<1x128xi32, #tpu.memory_space<vmem>> -> memref<128xi32, #tpu.memory_space<vmem>>
    %dma_start3A_32 = arith.constant 0 : i32
    %dma_start3A_33 = arith.constant 0 : i32
    %dma_start3A_34 = tpu.memref_slice %arg2[%dma_start3A_32, %dma_start3A_33] : memref<10000x128xf32, #tpu.memory_space<hbm>> -> memref<10000x128xf32, #tpu.memory_space<hbm>>
    tpu.enqueue_indirect_dma source(%dma_start3A_34 : memref<10000x128xf32, #tpu.memory_space<hbm>>) target(%arg10 : memref<128x128xf32, #tpu.memory_space<vmem>>) offsets(%dma_start3A_31 : memref<128xi32, #tpu.memory_space<vmem>>) semaphore(%arg16 : memref<!tpu.dma_semaphore, #tpu.memory_space<semaphore_mem>>)
    %scan3A_35 = arith.constant 0 : i32
    %scan3A_36 = arith.constant 0 : i32
    %scan3A_37 = arith.constant 20 : i32
    %scan3A_38 = arith.addi %scan3A_36, %scan3A_37 : i32
    %scan3A_39 = arith.constant 1 : i32
    scf.for %scan3A_42 = %scan3A_36 to %scan3A_38 step %scan3A_39  : i32 {
      %mul3A_43 = arith.constant 4 : i32
      %mul3A_44 = arith.muli %mul3A_43, %scan3A_42 : i32
      %add3A_45 = arith.constant 4 : i32
      %add3A_46 = arith.addi %mul3A_44, %add3A_45 : i32
      %sub3A = arith.constant 1 : i32
      %sub3A_47 = arith.subi %add3A_46, %sub3A : i32
      %dma_start3A_48 = arith.constant 0 : i32
      %dma_start3A_49 = tpu.memref_slice %arg6[%sub3A_47, %dma_start3A_48] : memref<80x128xi32, #tpu.memory_space<vmem>> -> memref<1x128xi32, #tpu.memory_space<vmem>>
      %dma_start3A_50 = tpu.memref_squeeze %dma_start3A_49 : memref<1x128xi32, #tpu.memory_space<vmem>> -> memref<128xi32, #tpu.memory_space<vmem>>
      %dma_start3A_51 = arith.constant 0 : i32
      %dma_start3A_52 = arith.constant 0 : i32
      %dma_start3A_53 = tpu.memref_slice %arg2[%dma_start3A_51, %dma_start3A_52] : memref<10000x128xf32, #tpu.memory_space<hbm>> -> memref<10000x128xf32, #tpu.memory_space<hbm>>
      tpu.enqueue_indirect_dma source(%dma_start3A_53 : memref<10000x128xf32, #tpu.memory_space<hbm>>) target(%arg11 : memref<128x128xf32, #tpu.memory_space<vmem>>) offsets(%dma_start3A_50 : memref<128xi32, #tpu.memory_space<vmem>>) semaphore(%arg17 : memref<!tpu.dma_semaphore, #tpu.memory_space<semaphore_mem>>)
      %add3A_54 = arith.constant 0 : i32
      %add3A_55 = arith.addi %mul3A_44, %add3A_54 : i32
      %dma_wait3A = arith.constant 0 : i32
      %dma_wait3A_56 = tpu.memref_slice %arg6[%add3A_55, %dma_wait3A] : memref<80x128xi32, #tpu.memory_space<vmem>> -> memref<1x128xi32, #tpu.memory_space<vmem>>
      %dma_wait3A_57 = tpu.memref_squeeze %dma_wait3A_56 : memref<1x128xi32, #tpu.memory_space<vmem>> -> memref<128xi32, #tpu.memory_space<vmem>>
      %dma_wait3A_58 = arith.constant 0 : i32
      %dma_wait3A_59 = arith.constant 0 : i32
      %dma_wait3A_60 = tpu.memref_slice %arg2[%dma_wait3A_58, %dma_wait3A_59] : memref<10000x128xf32, #tpu.memory_space<hbm>> -> memref<10000x128xf32, #tpu.memory_space<hbm>>
      tpu.wait_indirect_dma semaphore(%arg14 : memref<!tpu.dma_semaphore, #tpu.memory_space<semaphore_mem>>) src(%dma_wait3A_60 : memref<10000x128xf32, #tpu.memory_space<hbm>>) dst(%arg8 : memref<128x128xf32, #tpu.memory_space<vmem>>)
      "tpu.region"() ({
        %run_scoped3A = tpu.sem_alloc : memref<!tpu.dma_semaphore, #tpu.memory_space<semaphore_mem>>
        %dma_start3A_103 = arith.constant 0 : i32
        %dma_start3A_104 = tpu.memref_slice %arg7[%add3A_55, %dma_start3A_103] : memref<80x128xi32, #tpu.memory_space<vmem>> -> memref<1x128xi32, #tpu.memory_space<vmem>>
        %dma_start3A_105 = tpu.memref_squeeze %dma_start3A_104 : memref<1x128xi32, #tpu.memory_space<vmem>> -> memref<128xi32, #tpu.memory_space<vmem>>
        %dma_start3A_106 = arith.constant 0 : i32
        %dma_start3A_107 = arith.constant 0 : i32
        %dma_start3A_108 = tpu.memref_slice %arg13[%dma_start3A_106, %dma_start3A_107] : memref<5120x128xf32, #tpu.memory_space<vmem_shared>> -> memref<5120x128xf32, #tpu.memory_space<vmem_shared>>
        tpu.enqueue_indirect_dma source(%arg8 : memref<128x128xf32, #tpu.memory_space<vmem>>) target(%dma_start3A_108 : memref<5120x128xf32, #tpu.memory_space<vmem_shared>>) offsets(%dma_start3A_105 : memref<128xi32, #tpu.memory_space<vmem>>) semaphore(%run_scoped3A : memref<!tpu.dma_semaphore, #tpu.memory_space<semaphore_mem>>) {add = true}
        %dma_wait3A_109 = arith.constant 0 : i32
        %dma_wait3A_110 = tpu.memref_slice %arg7[%add3A_55, %dma_wait3A_109] : memref<80x128xi32, #tpu.memory_space<vmem>> -> memref<1x128xi32, #tpu.memory_space<vmem>>
        %dma_wait3A_111 = tpu.memref_squeeze %dma_wait3A_110 : memref<1x128xi32, #tpu.memory_space<vmem>> -> memref<128xi32, #tpu.memory_space<vmem>>
        %dma_wait3A_112 = arith.constant 0 : i32
        %dma_wait3A_113 = arith.constant 0 : i32
        %dma_wait3A_114 = tpu.memref_slice %arg13[%dma_wait3A_112, %dma_wait3A_113] : memref<5120x128xf32, #tpu.memory_space<vmem_shared>> -> memref<5120x128xf32, #tpu.memory_space<vmem_shared>>
        tpu.wait_indirect_dma semaphore(%run_scoped3A : memref<!tpu.dma_semaphore, #tpu.memory_space<semaphore_mem>>) src(%arg8 : memref<128x128xf32, #tpu.memory_space<vmem>>) dst(%dma_wait3A_114 : memref<5120x128xf32, #tpu.memory_space<vmem_shared>>)
        tpu.yield
      }) : () -> ()
      %add3A_61 = arith.constant 4 : i32
      %add3A_62 = arith.addi %add3A_55, %add3A_61 : i32
      %lt3A = arith.constant 80 : i32
      %lt3A_63 = arith.cmpi slt, %add3A_62, %lt3A : i32
      %convert_element_type3A = arith.extui %lt3A_63 : i1 to i32
      %cond3A = arith.constant 0 : i32
      %cond3A_64 = arith.cmpi ne, %convert_element_type3A, %cond3A : i32
      scf.if %cond3A_64 {
        %add3A_103 = arith.constant 4 : i32
        %add3A_104 = arith.addi %add3A_55, %add3A_103 : i32
        %dma_start3A_105 = arith.constant 0 : i32
        %dma_start3A_106 = tpu.memref_slice %arg6[%add3A_104, %dma_start3A_105] : memref<80x128xi32, #tpu.memory_space<vmem>> -> memref<1x128xi32, #tpu.memory_space<vmem>>
        %dma_start3A_107 = tpu.memref_squeeze %dma_start3A_106 : memref<1x128xi32, #tpu.memory_space<vmem>> -> memref<128xi32, #tpu.memory_space<vmem>>
        %dma_start3A_108 = arith.constant 0 : i32
        %dma_start3A_109 = arith.constant 0 : i32
        %dma_start3A_110 = tpu.memref_slice %arg2[%dma_start3A_108, %dma_start3A_109] : memref<10000x128xf32, #tpu.memory_space<hbm>> -> memref<10000x128xf32, #tpu.memory_space<hbm>>
        tpu.enqueue_indirect_dma source(%dma_start3A_110 : memref<10000x128xf32, #tpu.memory_space<hbm>>) target(%arg8 : memref<128x128xf32, #tpu.memory_space<vmem>>) offsets(%dma_start3A_107 : memref<128xi32, #tpu.memory_space<vmem>>) semaphore(%arg14 : memref<!tpu.dma_semaphore, #tpu.memory_space<semaphore_mem>>)
      } else {
      }
      %add3A_65 = arith.constant 1 : i32
      %add3A_66 = arith.addi %mul3A_44, %add3A_65 : i32
      %dma_wait3A_67 = arith.constant 0 : i32
      %dma_wait3A_68 = tpu.memref_slice %arg6[%add3A_66, %dma_wait3A_67] : memref<80x128xi32, #tpu.memory_space<vmem>> -> memref<1x128xi32, #tpu.memory_space<vmem>>
      %dma_wait3A_69 = tpu.memref_squeeze %dma_wait3A_68 : memref<1x128xi32, #tpu.memory_space<vmem>> -> memref<128xi32, #tpu.memory_space<vmem>>
      %dma_wait3A_70 = arith.constant 0 : i32
      %dma_wait3A_71 = arith.constant 0 : i32
      %dma_wait3A_72 = tpu.memref_slice %arg2[%dma_wait3A_70, %dma_wait3A_71] : memref<10000x128xf32, #tpu.memory_space<hbm>> -> memref<10000x128xf32, #tpu.memory_space<hbm>>
      tpu.wait_indirect_dma semaphore(%arg15 : memref<!tpu.dma_semaphore, #tpu.memory_space<semaphore_mem>>) src(%dma_wait3A_72 : memref<10000x128xf32, #tpu.memory_space<hbm>>) dst(%arg9 : memref<128x128xf32, #tpu.memory_space<vmem>>)
      "tpu.region"() ({
        %run_scoped3A = tpu.sem_alloc : memref<!tpu.dma_semaphore, #tpu.memory_space<semaphore_mem>>
        %dma_start3A_103 = arith.constant 0 : i32
        %dma_start3A_104 = tpu.memref_slice %arg7[%add3A_66, %dma_start3A_103] : memref<80x128xi32, #tpu.memory_space<vmem>> -> memref<1x128xi32, #tpu.memory_space<vmem>>
        %dma_start3A_105 = tpu.memref_squeeze %dma_start3A_104 : memref<1x128xi32, #tpu.memory_space<vmem>> -> memref<128xi32, #tpu.memory_space<vmem>>
        %dma_start3A_106 = arith.constant 0 : i32
        %dma_start3A_107 = arith.constant 0 : i32
        %dma_start3A_108 = tpu.memref_slice %arg13[%dma_start3A_106, %dma_start3A_107] : memref<5120x128xf32, #tpu.memory_space<vmem_shared>> -> memref<5120x128xf32, #tpu.memory_space<vmem_shared>>
        tpu.enqueue_indirect_dma source(%arg9 : memref<128x128xf32, #tpu.memory_space<vmem>>) target(%dma_start3A_108 : memref<5120x128xf32, #tpu.memory_space<vmem_shared>>) offsets(%dma_start3A_105 : memref<128xi32, #tpu.memory_space<vmem>>) semaphore(%run_scoped3A : memref<!tpu.dma_semaphore, #tpu.memory_space<semaphore_mem>>) {add = true}
        %dma_wait3A_109 = arith.constant 0 : i32
        %dma_wait3A_110 = tpu.memref_slice %arg7[%add3A_66, %dma_wait3A_109] : memref<80x128xi32, #tpu.memory_space<vmem>> -> memref<1x128xi32, #tpu.memory_space<vmem>>
        %dma_wait3A_111 = tpu.memref_squeeze %dma_wait3A_110 : memref<1x128xi32, #tpu.memory_space<vmem>> -> memref<128xi32, #tpu.memory_space<vmem>>
        %dma_wait3A_112 = arith.constant 0 : i32
        %dma_wait3A_113 = arith.constant 0 : i32
        %dma_wait3A_114 = tpu.memref_slice %arg13[%dma_wait3A_112, %dma_wait3A_113] : memref<5120x128xf32, #tpu.memory_space<vmem_shared>> -> memref<5120x128xf32, #tpu.memory_space<vmem_shared>>
        tpu.wait_indirect_dma semaphore(%run_scoped3A : memref<!tpu.dma_semaphore, #tpu.memory_space<semaphore_mem>>) src(%arg9 : memref<128x128xf32, #tpu.memory_space<vmem>>) dst(%dma_wait3A_114 : memref<5120x128xf32, #tpu.memory_space<vmem_shared>>)
        tpu.yield
      }) : () -> ()
      %add3A_73 = arith.constant 4 : i32
      %add3A_74 = arith.addi %add3A_66, %add3A_73 : i32
      %lt3A_75 = arith.constant 80 : i32
      %lt3A_76 = arith.cmpi slt, %add3A_74, %lt3A_75 : i32
      %convert_element_type3A_77 = arith.extui %lt3A_76 : i1 to i32
      %cond3A_78 = arith.constant 0 : i32
      %cond3A_79 = arith.cmpi ne, %convert_element_type3A_77, %cond3A_78 : i32
      scf.if %cond3A_79 {
        %add3A_103 = arith.constant 4 : i32
        %add3A_104 = arith.addi %add3A_66, %add3A_103 : i32
        %dma_start3A_105 = arith.constant 0 : i32
        %dma_start3A_106 = tpu.memref_slice %arg6[%add3A_104, %dma_start3A_105] : memref<80x128xi32, #tpu.memory_space<vmem>> -> memref<1x128xi32, #tpu.memory_space<vmem>>
        %dma_start3A_107 = tpu.memref_squeeze %dma_start3A_106 : memref<1x128xi32, #tpu.memory_space<vmem>> -> memref<128xi32, #tpu.memory_space<vmem>>
        %dma_start3A_108 = arith.constant 0 : i32
        %dma_start3A_109 = arith.constant 0 : i32
        %dma_start3A_110 = tpu.memref_slice %arg2[%dma_start3A_108, %dma_start3A_109] : memref<10000x128xf32, #tpu.memory_space<hbm>> -> memref<10000x128xf32, #tpu.memory_space<hbm>>
        tpu.enqueue_indirect_dma source(%dma_start3A_110 : memref<10000x128xf32, #tpu.memory_space<hbm>>) target(%arg9 : memref<128x128xf32, #tpu.memory_space<vmem>>) offsets(%dma_start3A_107 : memref<128xi32, #tpu.memory_space<vmem>>) semaphore(%arg15 : memref<!tpu.dma_semaphore, #tpu.memory_space<semaphore_mem>>)
      } else {
      }
      %add3A_80 = arith.constant 2 : i32
      %add3A_81 = arith.addi %mul3A_44, %add3A_80 : i32
      %dma_wait3A_82 = arith.constant 0 : i32
      %dma_wait3A_83 = tpu.memref_slice %arg6[%add3A_81, %dma_wait3A_82] : memref<80x128xi32, #tpu.memory_space<vmem>> -> memref<1x128xi32, #tpu.memory_space<vmem>>
      %dma_wait3A_84 = tpu.memref_squeeze %dma_wait3A_83 : memref<1x128xi32, #tpu.memory_space<vmem>> -> memref<128xi32, #tpu.memory_space<vmem>>
      %dma_wait3A_85 = arith.constant 0 : i32
      %dma_wait3A_86 = arith.constant 0 : i32
      %dma_wait3A_87 = tpu.memref_slice %arg2[%dma_wait3A_85, %dma_wait3A_86] : memref<10000x128xf32, #tpu.memory_space<hbm>> -> memref<10000x128xf32, #tpu.memory_space<hbm>>
      tpu.wait_indirect_dma semaphore(%arg16 : memref<!tpu.dma_semaphore, #tpu.memory_space<semaphore_mem>>) src(%dma_wait3A_87 : memref<10000x128xf32, #tpu.memory_space<hbm>>) dst(%arg10 : memref<128x128xf32, #tpu.memory_space<vmem>>)
      "tpu.region"() ({
        %run_scoped3A = tpu.sem_alloc : memref<!tpu.dma_semaphore, #tpu.memory_space<semaphore_mem>>
        %dma_start3A_103 = arith.constant 0 : i32
        %dma_start3A_104 = tpu.memref_slice %arg7[%add3A_81, %dma_start3A_103] : memref<80x128xi32, #tpu.memory_space<vmem>> -> memref<1x128xi32, #tpu.memory_space<vmem>>
        %dma_start3A_105 = tpu.memref_squeeze %dma_start3A_104 : memref<1x128xi32, #tpu.memory_space<vmem>> -> memref<128xi32, #tpu.memory_space<vmem>>
        %dma_start3A_106 = arith.constant 0 : i32
        %dma_start3A_107 = arith.constant 0 : i32
        %dma_start3A_108 = tpu.memref_slice %arg13[%dma_start3A_106, %dma_start3A_107] : memref<5120x128xf32, #tpu.memory_space<vmem_shared>> -> memref<5120x128xf32, #tpu.memory_space<vmem_shared>>
        tpu.enqueue_indirect_dma source(%arg10 : memref<128x128xf32, #tpu.memory_space<vmem>>) target(%dma_start3A_108 : memref<5120x128xf32, #tpu.memory_space<vmem_shared>>) offsets(%dma_start3A_105 : memref<128xi32, #tpu.memory_space<vmem>>) semaphore(%run_scoped3A : memref<!tpu.dma_semaphore, #tpu.memory_space<semaphore_mem>>) {add = true}
        %dma_wait3A_109 = arith.constant 0 : i32
        %dma_wait3A_110 = tpu.memref_slice %arg7[%add3A_81, %dma_wait3A_109] : memref<80x128xi32, #tpu.memory_space<vmem>> -> memref<1x128xi32, #tpu.memory_space<vmem>>
        %dma_wait3A_111 = tpu.memref_squeeze %dma_wait3A_110 : memref<1x128xi32, #tpu.memory_space<vmem>> -> memref<128xi32, #tpu.memory_space<vmem>>
        %dma_wait3A_112 = arith.constant 0 : i32
        %dma_wait3A_113 = arith.constant 0 : i32
        %dma_wait3A_114 = tpu.memref_slice %arg13[%dma_wait3A_112, %dma_wait3A_113] : memref<5120x128xf32, #tpu.memory_space<vmem_shared>> -> memref<5120x128xf32, #tpu.memory_space<vmem_shared>>
        tpu.wait_indirect_dma semaphore(%run_scoped3A : memref<!tpu.dma_semaphore, #tpu.memory_space<semaphore_mem>>) src(%arg10 : memref<128x128xf32, #tpu.memory_space<vmem>>) dst(%dma_wait3A_114 : memref<5120x128xf32, #tpu.memory_space<vmem_shared>>)
        tpu.yield
      }) : () -> ()
      %add3A_88 = arith.constant 4 : i32
      %add3A_89 = arith.addi %add3A_81, %add3A_88 : i32
      %lt3A_90 = arith.constant 80 : i32
      %lt3A_91 = arith.cmpi slt, %add3A_89, %lt3A_90 : i32
      %convert_element_type3A_92 = arith.extui %lt3A_91 : i1 to i32
      %cond3A_93 = arith.constant 0 : i32
      %cond3A_94 = arith.cmpi ne, %convert_element_type3A_92, %cond3A_93 : i32
      scf.if %cond3A_94 {
        %add3A_103 = arith.constant 4 : i32
        %add3A_104 = arith.addi %add3A_81, %add3A_103 : i32
        %dma_start3A_105 = arith.constant 0 : i32
        %dma_start3A_106 = tpu.memref_slice %arg6[%add3A_104, %dma_start3A_105] : memref<80x128xi32, #tpu.memory_space<vmem>> -> memref<1x128xi32, #tpu.memory_space<vmem>>
        %dma_start3A_107 = tpu.memref_squeeze %dma_start3A_106 : memref<1x128xi32, #tpu.memory_space<vmem>> -> memref<128xi32, #tpu.memory_space<vmem>>
        %dma_start3A_108 = arith.constant 0 : i32
        %dma_start3A_109 = arith.constant 0 : i32
        %dma_start3A_110 = tpu.memref_slice %arg2[%dma_start3A_108, %dma_start3A_109] : memref<10000x128xf32, #tpu.memory_space<hbm>> -> memref<10000x128xf32, #tpu.memory_space<hbm>>
        tpu.enqueue_indirect_dma source(%dma_start3A_110 : memref<10000x128xf32, #tpu.memory_space<hbm>>) target(%arg10 : memref<128x128xf32, #tpu.memory_space<vmem>>) offsets(%dma_start3A_107 : memref<128xi32, #tpu.memory_space<vmem>>) semaphore(%arg16 : memref<!tpu.dma_semaphore, #tpu.memory_space<semaphore_mem>>)
      } else {
      }
      %add3A_95 = arith.constant 3 : i32
      %add3A_96 = arith.addi %mul3A_44, %add3A_95 : i32
      %dma_wait3A_97 = arith.constant 0 : i32
      %dma_wait3A_98 = tpu.memref_slice %arg6[%add3A_96, %dma_wait3A_97] : memref<80x128xi32, #tpu.memory_space<vmem>> -> memref<1x128xi32, #tpu.memory_space<vmem>>
      %dma_wait3A_99 = tpu.memref_squeeze %dma_wait3A_98 : memref<1x128xi32, #tpu.memory_space<vmem>> -> memref<128xi32, #tpu.memory_space<vmem>>
      %dma_wait3A_100 = arith.constant 0 : i32
      %dma_wait3A_101 = arith.constant 0 : i32
      %dma_wait3A_102 = tpu.memref_slice %arg2[%dma_wait3A_100, %dma_wait3A_101] : memref<10000x128xf32, #tpu.memory_space<hbm>> -> memref<10000x128xf32, #tpu.memory_space<hbm>>
      tpu.wait_indirect_dma semaphore(%arg17 : memref<!tpu.dma_semaphore, #tpu.memory_space<semaphore_mem>>) src(%dma_wait3A_102 : memref<10000x128xf32, #tpu.memory_space<hbm>>) dst(%arg11 : memref<128x128xf32, #tpu.memory_space<vmem>>)
      "tpu.region"() ({
        %run_scoped3A = tpu.sem_alloc : memref<!tpu.dma_semaphore, #tpu.memory_space<semaphore_mem>>
        %dma_start3A_103 = arith.constant 0 : i32
        %dma_start3A_104 = tpu.memref_slice %arg7[%add3A_96, %dma_start3A_103] : memref<80x128xi32, #tpu.memory_space<vmem>> -> memref<1x128xi32, #tpu.memory_space<vmem>>
        %dma_start3A_105 = tpu.memref_squeeze %dma_start3A_104 : memref<1x128xi32, #tpu.memory_space<vmem>> -> memref<128xi32, #tpu.memory_space<vmem>>
        %dma_start3A_106 = arith.constant 0 : i32
        %dma_start3A_107 = arith.constant 0 : i32
        %dma_start3A_108 = tpu.memref_slice %arg13[%dma_start3A_106, %dma_start3A_107] : memref<5120x128xf32, #tpu.memory_space<vmem_shared>> -> memref<5120x128xf32, #tpu.memory_space<vmem_shared>>
        tpu.enqueue_indirect_dma source(%arg11 : memref<128x128xf32, #tpu.memory_space<vmem>>) target(%dma_start3A_108 : memref<5120x128xf32, #tpu.memory_space<vmem_shared>>) offsets(%dma_start3A_105 : memref<128xi32, #tpu.memory_space<vmem>>) semaphore(%run_scoped3A : memref<!tpu.dma_semaphore, #tpu.memory_space<semaphore_mem>>) {add = true}
        %dma_wait3A_109 = arith.constant 0 : i32
        %dma_wait3A_110 = tpu.memref_slice %arg7[%add3A_96, %dma_wait3A_109] : memref<80x128xi32, #tpu.memory_space<vmem>> -> memref<1x128xi32, #tpu.memory_space<vmem>>
        %dma_wait3A_111 = tpu.memref_squeeze %dma_wait3A_110 : memref<1x128xi32, #tpu.memory_space<vmem>> -> memref<128xi32, #tpu.memory_space<vmem>>
        %dma_wait3A_112 = arith.constant 0 : i32
        %dma_wait3A_113 = arith.constant 0 : i32
        %dma_wait3A_114 = tpu.memref_slice %arg13[%dma_wait3A_112, %dma_wait3A_113] : memref<5120x128xf32, #tpu.memory_space<vmem_shared>> -> memref<5120x128xf32, #tpu.memory_space<vmem_shared>>
        tpu.wait_indirect_dma semaphore(%run_scoped3A : memref<!tpu.dma_semaphore, #tpu.memory_space<semaphore_mem>>) src(%arg11 : memref<128x128xf32, #tpu.memory_space<vmem>>) dst(%dma_wait3A_114 : memref<5120x128xf32, #tpu.memory_space<vmem_shared>>)
        tpu.yield
      }) : () -> ()
    }
    %scan3A_40 = arith.constant 20 : i32
    %barrier3A_41 = arith.constant 0 : index
    tpu.barrier barrier_id(%barrier3A_41)
    "tpu.region"() ({
      %run_scoped3A = tpu.sem_alloc : memref<!tpu.dma_semaphore, #tpu.memory_space<semaphore_mem>>
      %dma_start3A_42 = arith.constant 0 : i32
      %dma_start3A_43 = tpu.memref_slice %arg5[%arg0, %mul3A_8, %dma_start3A_42] : memref<2x5120x128xf32, #tpu.memory_space<hbm>> -> memref<1x320x128xf32, #tpu.memory_space<hbm>>
      %dma_start3A_44 = tpu.memref_squeeze %dma_start3A_43 : memref<1x320x128xf32, #tpu.memory_space<hbm>> -> memref<320x128xf32, #tpu.memory_space<hbm>>
      %dma_start3A_45 = arith.constant 0 : i32
      %dma_start3A_46 = tpu.memref_slice %arg13[%mul3A_8, %dma_start3A_45] : memref<5120x128xf32, #tpu.memory_space<vmem_shared>> -> memref<320x128xf32, #tpu.memory_space<vmem_shared>>
      tpu.enqueue_dma source(%dma_start3A_46 : memref<320x128xf32, #tpu.memory_space<vmem_shared>>) target(%dma_start3A_44 : memref<320x128xf32, #tpu.memory_space<hbm>>) target_semaphore(%run_scoped3A : memref<!tpu.dma_semaphore, #tpu.memory_space<semaphore_mem>>)
      %dma_wait3A = arith.constant 0 : i32
      %dma_wait3A_47 = tpu.memref_slice %arg5[%arg0, %mul3A_8, %dma_wait3A] : memref<2x5120x128xf32, #tpu.memory_space<hbm>> -> memref<1x320x128xf32, #tpu.memory_space<hbm>>
      %dma_wait3A_48 = tpu.memref_squeeze %dma_wait3A_47 : memref<1x320x128xf32, #tpu.memory_space<hbm>> -> memref<320x128xf32, #tpu.memory_space<hbm>>
      %dma_wait3A_49 = arith.constant 0 : i32
      %dma_wait3A_50 = tpu.memref_slice %arg13[%mul3A_8, %dma_wait3A_49] : memref<5120x128xf32, #tpu.memory_space<vmem_shared>> -> memref<320x128xf32, #tpu.memory_space<vmem_shared>>
      tpu.wait_dma2 semaphore(%run_scoped3A : memref<!tpu.dma_semaphore, #tpu.memory_space<semaphore_mem>>) src(%dma_wait3A_50 : memref<320x128xf32, #tpu.memory_space<vmem_shared>>) dst(%dma_wait3A_48 : memref<320x128xf32, #tpu.memory_space<hbm>>)
      tpu.yield
    }) : () -> ()
    return
  }
}

module attributes {stable_mosaic.version = 14 : i64} {
  func.func @_bn_body(%arg0: i32, %arg1: i32, %arg2: memref<1000x128xf32, #tpu.memory_space<vmem>>, %arg3: memref<1x128xf32, #tpu.memory_space<vmem>>, %arg4: memref<1x128xf32, #tpu.memory_space<vmem>>, %arg5: memref<1000x1xf32, #tpu.memory_space<vmem>>, %arg6: memref<1000x128xf32, #tpu.memory_space<vmem>>, %arg7: memref<2x128xf32, #tpu.memory_space<vmem>>) attributes {dimension_semantics = [#tpu.dimension_semantics<arbitrary>, #tpu.dimension_semantics<arbitrary>], iteration_bounds = array<i64: 2, 10>, scalar_prefetch = 0 : i64, scratch_operands = 1 : i64, tpu.core_type = #tpu.core_type<tc>, window_params = [{transform_indices = @transform_0, window_bounds = array<i64: 1000, 128>}, {pipeline_mode = #tpu.pipeline_mode<synchronous>, transform_indices = @transform_1, window_bounds = array<i64: 1, 128>}, {pipeline_mode = #tpu.pipeline_mode<synchronous>, transform_indices = @transform_2, window_bounds = array<i64: 1, 128>}, {transform_indices = @transform_3, window_bounds = array<i64: 1000, 1>}, {transform_indices = @transform_4, window_bounds = array<i64: 1000, 128>}]} {
    %eq3A = arith.constant 0 : i32
    %eq3A_0 = arith.cmpi eq, %arg0, %eq3A : i32
    %eq3A_1 = arith.constant 0 : i32
    %eq3A_2 = arith.cmpi eq, %arg1, %eq3A_1 : i32
    %and3A = arith.andi %eq3A_0, %eq3A_2 : i1
    %convert_element_type3A = arith.extui %and3A : i1 to i32
    %cond3A = arith.constant 0 : i32
    %cond3A_3 = arith.cmpi ne, %convert_element_type3A, %cond3A : i32
    scf.if %cond3A_3 {
      %broadcast_in_dim3A = arith.constant 0.000000e+00 : f32
      %broadcast_in_dim3A_14 = vector.broadcast %broadcast_in_dim3A : f32 to vector<2x128xf32>
      %swap3A = arith.constant 0 : index
      %swap3A_15 = arith.constant 0 : index
      %swap3A_16 = vector.load %arg7[%swap3A, %swap3A_15] : memref<2x128xf32, #tpu.memory_space<vmem>>, vector<2x128xf32>
      tpu.vector_store %arg7[%swap3A, %swap3A_15], %broadcast_in_dim3A_14 {strides = array<i32>} : memref<2x128xf32, #tpu.memory_space<vmem>>, vector<2x128xf32>,
    } else {
    }
    %eq3A_4 = arith.constant 0 : i32
    %eq3A_5 = arith.cmpi eq, %arg0, %eq3A_4 : i32
    %convert_element_type3A_6 = arith.extui %eq3A_5 : i1 to i32
    %cond3A_7 = arith.constant 0 : i32
    %cond3A_8 = arith.cmpi ne, %convert_element_type3A_6, %cond3A_7 : i32
    scf.if %cond3A_8 {
      %get3A = arith.constant 0 : index
      %get3A_14 = arith.constant 0 : index
      %get3A_15 = vector.load %arg2[%get3A, %get3A_14] : memref<1000x128xf32, #tpu.memory_space<vmem>>, vector<1000x128xf32>
      %get3A_16 = arith.constant 0 : index
      %get3A_17 = arith.constant 0 : index
      %get3A_18 = vector.load %arg7[%get3A_16, %get3A_17] : memref<2x128xf32, #tpu.memory_space<vmem>>, vector<1x128xf32>
      %reduce_sum3A = arith.constant dense<0.000000e+00> : vector<128xf32>
      %reduce_sum3A_19 = vector.multi_reduction <add>, %get3A_15, %reduce_sum3A [0] : vector<1000x128xf32> to vector<128xf32>
      %broadcast_in_dim3A = vector.shape_cast %reduce_sum3A_19 : vector<128xf32> to vector<1x128xf32>
      %add3A = arith.addf %get3A_18, %broadcast_in_dim3A : vector<1x128xf32>
      %swap3A = arith.constant 0 : index
      %swap3A_20 = arith.constant 0 : index
      %swap3A_21 = vector.load %arg7[%swap3A, %swap3A_20] : memref<2x128xf32, #tpu.memory_space<vmem>>, vector<1x128xf32>
      tpu.vector_store %arg7[%swap3A, %swap3A_20], %add3A {strides = array<i32>} : memref<2x128xf32, #tpu.memory_space<vmem>>, vector<1x128xf32>,
      %get3A_22 = arith.constant 1 : index
      %get3A_23 = arith.constant 0 : index
      %get3A_24 = vector.load %arg7[%get3A_22, %get3A_23] : memref<2x128xf32, #tpu.memory_space<vmem>>, vector<1x128xf32>
      %mul3A = arith.mulf %get3A_15, %get3A_15 : vector<1000x128xf32>
      %reduce_sum3A_25 = arith.constant dense<0.000000e+00> : vector<128xf32>
      %reduce_sum3A_26 = vector.multi_reduction <add>, %mul3A, %reduce_sum3A_25 [0] : vector<1000x128xf32> to vector<128xf32>
      %broadcast_in_dim3A_27 = vector.shape_cast %reduce_sum3A_26 : vector<128xf32> to vector<1x128xf32>
      %add3A_28 = arith.addf %get3A_24, %broadcast_in_dim3A_27 : vector<1x128xf32>
      %swap3A_29 = arith.constant 1 : index
      %swap3A_30 = arith.constant 0 : index
      %swap3A_31 = vector.load %arg7[%swap3A_29, %swap3A_30] : memref<2x128xf32, #tpu.memory_space<vmem>>, vector<1x128xf32>
      tpu.vector_store %arg7[%swap3A_29, %swap3A_30], %add3A_28 {strides = array<i32>} : memref<2x128xf32, #tpu.memory_space<vmem>>, vector<1x128xf32>,
    } else {
    }
    %eq3A_9 = arith.constant 1 : i32
    %eq3A_10 = arith.cmpi eq, %arg0, %eq3A_9 : i32
    %convert_element_type3A_11 = arith.extui %eq3A_10 : i1 to i32
    %cond3A_12 = arith.constant 0 : i32
    %cond3A_13 = arith.cmpi ne, %convert_element_type3A_11, %cond3A_12 : i32
    scf.if %cond3A_13 {
      %get3A = arith.constant 0 : index
      %get3A_14 = arith.constant 0 : index
      %get3A_15 = vector.load %arg2[%get3A, %get3A_14] : memref<1000x128xf32, #tpu.memory_space<vmem>>, vector<1000x128xf32>
      %get3A_16 = arith.constant 0 : index
      %get3A_17 = arith.constant 0 : index
      %get3A_18 = vector.load %arg7[%get3A_16, %get3A_17] : memref<2x128xf32, #tpu.memory_space<vmem>>, vector<1x128xf32>
      %mul3A = arith.constant 9.99999974E-5 : f32
      %mul3A_19 = vector.broadcast %mul3A : f32 to vector<1x128xf32>
      %mul3A_20 = arith.mulf %get3A_18, %mul3A_19 : vector<1x128xf32>
      %get3A_21 = arith.constant 1 : index
      %get3A_22 = arith.constant 0 : index
      %get3A_23 = vector.load %arg7[%get3A_21, %get3A_22] : memref<2x128xf32, #tpu.memory_space<vmem>>, vector<1x128xf32>
      %mul3A_24 = arith.constant 9.99999974E-5 : f32
      %mul3A_25 = vector.broadcast %mul3A_24 : f32 to vector<1x128xf32>
      %mul3A_26 = arith.mulf %get3A_23, %mul3A_25 : vector<1x128xf32>
      %mul3A_27 = arith.mulf %mul3A_20, %mul3A_20 : vector<1x128xf32>
      %sub3A = arith.subf %mul3A_26, %mul3A_27 : vector<1x128xf32>
      %add3A = arith.constant 9.99999974E-6 : f32
      %add3A_28 = vector.broadcast %add3A : f32 to vector<1x128xf32>
      %add3A_29 = arith.addf %sub3A, %add3A_28 : vector<1x128xf32>
      %rsqrt3A = math.rsqrt %add3A_29 : vector<1x128xf32>
      %sub3A_30 = vector.broadcast %mul3A_20 : vector<1x128xf32> to vector<1000x128xf32>
      %sub3A_31 = arith.subf %get3A_15, %sub3A_30 : vector<1000x128xf32>
      %mul3A_32 = vector.broadcast %rsqrt3A : vector<1x128xf32> to vector<1000x128xf32>
      %mul3A_33 = arith.mulf %sub3A_31, %mul3A_32 : vector<1000x128xf32>
      %get3A_34 = arith.constant 0 : index
      %get3A_35 = arith.constant 0 : index
      %get3A_36 = vector.load %arg3[%get3A_34, %get3A_35] : memref<1x128xf32, #tpu.memory_space<vmem>>, vector<1x128xf32>
      %mul3A_37 = vector.broadcast %get3A_36 : vector<1x128xf32> to vector<1000x128xf32>
      %mul3A_38 = arith.mulf %mul3A_33, %mul3A_37 : vector<1000x128xf32>
      %get3A_39 = arith.constant 0 : index
      %get3A_40 = arith.constant 0 : index
      %get3A_41 = vector.load %arg4[%get3A_39, %get3A_40] : memref<1x128xf32, #tpu.memory_space<vmem>>, vector<1x128xf32>
      %add3A_42 = vector.broadcast %get3A_41 : vector<1x128xf32> to vector<1000x128xf32>
      %add3A_43 = arith.addf %mul3A_38, %add3A_42 : vector<1000x128xf32>
      %get3A_44 = arith.constant 0 : index
      %get3A_45 = arith.constant 0 : index
      %get3A_46 = vector.load %arg5[%get3A_44, %get3A_45] : memref<1000x1xf32, #tpu.memory_space<vmem>>, vector<1000x1xf32>
      %mul3A_47 = vector.broadcast %get3A_46 : vector<1000x1xf32> to vector<1000x128xf32>
      %mul3A_48 = arith.mulf %add3A_43, %mul3A_47 : vector<1000x128xf32>
      %swap3A = arith.constant 0 : index
      %swap3A_49 = arith.constant 0 : index
      %swap3A_50 = vector.load %arg6[%swap3A, %swap3A_49] : memref<1000x128xf32, #tpu.memory_space<vmem>>, vector<1000x128xf32>
      tpu.vector_store %arg6[%swap3A, %swap3A_49], %mul3A_48 {strides = array<i32>} : memref<1000x128xf32, #tpu.memory_space<vmem>>, vector<1000x128xf32>,
    } else {
    }
    return
  }
  func.func @transform_0(%arg0: i32, %arg1: i32) -> (i32, i32) {
    %c0_i32 = arith.constant 0 : i32
    %c0_i32_0 = arith.constant 0 : i32
    return %arg1, %c0_i32 : i32, i32
  }
  func.func @transform_1(%arg0: i32, %arg1: i32) -> (i32, i32) {
    %c0_i32 = arith.constant 0 : i32
    %c0_i32_0 = arith.constant 0 : i32
    %c0_i32_1 = arith.constant 0 : i32
    return %c0_i32, %c0_i32_0 : i32, i32
  }
  func.func @transform_2(%arg0: i32, %arg1: i32) -> (i32, i32) {
    %c0_i32 = arith.constant 0 : i32
    %c0_i32_0 = arith.constant 0 : i32
    %c0_i32_1 = arith.constant 0 : i32
    return %c0_i32, %c0_i32_0 : i32, i32
  }
  func.func @transform_3(%arg0: i32, %arg1: i32) -> (i32, i32) {
    %c0_i32 = arith.constant 0 : i32
    %c0_i32_0 = arith.constant 0 : i32
    return %arg1, %c0_i32 : i32, i32
  }
  func.func @transform_4(%arg0: i32, %arg1: i32) -> (i32, i32) {
    %mul3A = arith.muli %arg1, %arg0 : i32
    %c0_i32 = arith.constant 0 : i32
    %c0_i32_0 = arith.constant 0 : i32
    return %mul3A, %c0_i32 : i32, i32
  }
}

module attributes {stable_mosaic.version = 14 : i64} {
  func.func @_combine_body(%arg0: i32, %arg1: memref<2x1024x128xf32, #tpu.memory_space<vmem>>, %arg2: memref<1024x1xf32, #tpu.memory_space<vmem>>, %arg3: memref<1024x1xf32, #tpu.memory_space<vmem>>, %arg4: memref<1024x128xf32, #tpu.memory_space<vmem>>) attributes {dimension_semantics = [#tpu.dimension_semantics<arbitrary>], iteration_bounds = array<i64: 5>, scalar_prefetch = 0 : i64, scratch_operands = 0 : i64, tpu.core_type = #tpu.core_type<tc>, window_params = [{transform_indices = @transform_0, window_bounds = array<i64: 2, 1024, 128>}, {transform_indices = @transform_1, window_bounds = array<i64: 1024, 1>}, {transform_indices = @transform_2, window_bounds = array<i64: 1024, 1>}, {transform_indices = @transform_3, window_bounds = array<i64: 1024, 128>}]} {
    %get3A = arith.constant 0 : index
    %get3A_0 = arith.constant 0 : index
    %get3A_1 = arith.constant 0 : index
    %get3A_2 = vector.load %arg1[%get3A, %get3A_0, %get3A_1] : memref<2x1024x128xf32, #tpu.memory_space<vmem>>, vector<1x1024x128xf32>
    %get3A_3 = vector.shape_cast %get3A_2 : vector<1x1024x128xf32> to vector<1024x128xf32>
    %get3A_4 = arith.constant 1 : index
    %get3A_5 = arith.constant 0 : index
    %get3A_6 = arith.constant 0 : index
    %get3A_7 = vector.load %arg1[%get3A_4, %get3A_5, %get3A_6] : memref<2x1024x128xf32, #tpu.memory_space<vmem>>, vector<1x1024x128xf32>
    %get3A_8 = vector.shape_cast %get3A_7 : vector<1x1024x128xf32> to vector<1024x128xf32>
    %add3A = arith.addf %get3A_3, %get3A_8 : vector<1024x128xf32>
    %get3A_9 = arith.constant 0 : index
    %get3A_10 = arith.constant 0 : index
    %get3A_11 = vector.load %arg2[%get3A_9, %get3A_10] : memref<1024x1xf32, #tpu.memory_space<vmem>>, vector<1024x1xf32>
    %mul3A = vector.broadcast %get3A_11 : vector<1024x1xf32> to vector<1024x128xf32>
    %mul3A_12 = arith.mulf %add3A, %mul3A : vector<1024x128xf32>
    %max3A = arith.constant 0.000000e+00 : f32
    %max3A_13 = vector.broadcast %max3A : f32 to vector<1024x128xf32>
    %max3A_14 = arith.maximumf %mul3A_12, %max3A_13 : vector<1024x128xf32>
    %get3A_15 = arith.constant 0 : index
    %get3A_16 = arith.constant 0 : index
    %get3A_17 = vector.load %arg3[%get3A_15, %get3A_16] : memref<1024x1xf32, #tpu.memory_space<vmem>>, vector<1024x1xf32>
    %mul3A_18 = vector.broadcast %get3A_17 : vector<1024x1xf32> to vector<1024x128xf32>
    %mul3A_19 = arith.mulf %max3A_14, %mul3A_18 : vector<1024x128xf32>
    %swap3A = arith.constant 0 : index
    %swap3A_20 = arith.constant 0 : index
    %swap3A_21 = vector.load %arg4[%swap3A, %swap3A_20] : memref<1024x128xf32, #tpu.memory_space<vmem>>, vector<1024x128xf32>
    tpu.vector_store %arg4[%swap3A, %swap3A_20], %mul3A_19 {strides = array<i32>} : memref<1024x128xf32, #tpu.memory_space<vmem>>, vector<1024x128xf32>,
    return
  }
  func.func @transform_0(%arg0: i32) -> (i32, i32, i32) {
    %c0_i32 = arith.constant 0 : i32
    %c0_i32_0 = arith.constant 0 : i32
    %c0_i32_1 = arith.constant 0 : i32
    return %c0_i32, %arg0, %c0_i32_0 : i32, i32, i32
  }
  func.func @transform_1(%arg0: i32) -> (i32, i32) {
    %c0_i32 = arith.constant 0 : i32
    %c0_i32_0 = arith.constant 0 : i32
    return %arg0, %c0_i32 : i32, i32
  }
  func.func @transform_2(%arg0: i32) -> (i32, i32) {
    %c0_i32 = arith.constant 0 : i32
    %c0_i32_0 = arith.constant 0 : i32
    return %arg0, %c0_i32 : i32, i32
  }
  func.func @transform_3(%arg0: i32) -> (i32, i32) {
    %c0_i32 = arith.constant 0 : i32
    %c0_i32_0 = arith.constant 0 : i32
    return %arg0, %c0_i32 : i32, i32
  }
}

module attributes {stable_mosaic.version = 14 : i64} {
  func.func @_final_body(%arg0: i32, %arg1: memref<2x2000x128xf32, #tpu.memory_space<vmem>>, %arg2: memref<2000x1xf32, #tpu.memory_space<vmem>>, %arg3: memref<128x128xf32, #tpu.memory_space<vmem>>, %arg4: memref<1x128xf32, #tpu.memory_space<vmem>>, %arg5: memref<2000x128xf32, #tpu.memory_space<vmem>>) attributes {dimension_semantics = [#tpu.dimension_semantics<arbitrary>], iteration_bounds = array<i64: 5>, scalar_prefetch = 0 : i64, scratch_operands = 0 : i64, tpu.core_type = #tpu.core_type<tc>, window_params = [{transform_indices = @transform_0, window_bounds = array<i64: 2, 2000, 128>}, {transform_indices = @transform_1, window_bounds = array<i64: 2000, 1>}, {pipeline_mode = #tpu.pipeline_mode<synchronous>, transform_indices = @transform_2, window_bounds = array<i64: 128, 128>}, {pipeline_mode = #tpu.pipeline_mode<synchronous>, transform_indices = @transform_3, window_bounds = array<i64: 1, 128>}, {transform_indices = @transform_4, window_bounds = array<i64: 2000, 128>}]} {
    %get3A = arith.constant 0 : index
    %get3A_0 = arith.constant 0 : index
    %get3A_1 = arith.constant 0 : index
    %get3A_2 = vector.load %arg1[%get3A, %get3A_0, %get3A_1] : memref<2x2000x128xf32, #tpu.memory_space<vmem>>, vector<1x2000x128xf32>
    %get3A_3 = vector.shape_cast %get3A_2 : vector<1x2000x128xf32> to vector<2000x128xf32>
    %get3A_4 = arith.constant 1 : index
    %get3A_5 = arith.constant 0 : index
    %get3A_6 = arith.constant 0 : index
    %get3A_7 = vector.load %arg1[%get3A_4, %get3A_5, %get3A_6] : memref<2x2000x128xf32, #tpu.memory_space<vmem>>, vector<1x2000x128xf32>
    %get3A_8 = vector.shape_cast %get3A_7 : vector<1x2000x128xf32> to vector<2000x128xf32>
    %add3A = arith.addf %get3A_3, %get3A_8 : vector<2000x128xf32>
    %get3A_9 = arith.constant 0 : index
    %get3A_10 = arith.constant 0 : index
    %get3A_11 = vector.load %arg2[%get3A_9, %get3A_10] : memref<2000x1xf32, #tpu.memory_space<vmem>>, vector<2000x1xf32>
    %mul3A = vector.broadcast %get3A_11 : vector<2000x1xf32> to vector<2000x128xf32>
    %mul3A_12 = arith.mulf %add3A, %mul3A : vector<2000x128xf32>
    %get3A_13 = arith.constant 0 : index
    %get3A_14 = arith.constant 0 : index
    %get3A_15 = vector.load %arg3[%get3A_13, %get3A_14] : memref<128x128xf32, #tpu.memory_space<vmem>>, vector<128x128xf32>
    %dot_general3A = arith.constant dense<0.000000e+00> : vector<2000x128xf32>
    %dot_general3A_16 = tpu.matmul %mul3A_12, %get3A_15, %dot_general3A {dimension_numbers = #tpu.dot_dimension_numbers<[1], [0], [0], [1], [0, 0, 1, 1], [], []>, transpose_lhs_hint = false} : vector<2000x128xf32>, vector<128x128xf32>, vector<2000x128xf32> -> vector<2000x128xf32>
    %get3A_17 = arith.constant 0 : index
    %get3A_18 = arith.constant 0 : index
    %get3A_19 = vector.load %arg4[%get3A_17, %get3A_18] : memref<1x128xf32, #tpu.memory_space<vmem>>, vector<1x128xf32>
    %add3A_20 = vector.broadcast %get3A_19 : vector<1x128xf32> to vector<2000x128xf32>
    %add3A_21 = arith.addf %dot_general3A_16, %add3A_20 : vector<2000x128xf32>
    %swap3A = arith.constant 0 : index
    %swap3A_22 = arith.constant 0 : index
    %swap3A_23 = vector.load %arg5[%swap3A, %swap3A_22] : memref<2000x128xf32, #tpu.memory_space<vmem>>, vector<2000x128xf32>
    tpu.vector_store %arg5[%swap3A, %swap3A_22], %add3A_21 {strides = array<i32>} : memref<2000x128xf32, #tpu.memory_space<vmem>>, vector<2000x128xf32>,
    return
  }
  func.func @transform_0(%arg0: i32) -> (i32, i32, i32) {
    %c0_i32 = arith.constant 0 : i32
    %c0_i32_0 = arith.constant 0 : i32
    %c0_i32_1 = arith.constant 0 : i32
    return %c0_i32, %arg0, %c0_i32_0 : i32, i32, i32
  }
  func.func @transform_1(%arg0: i32) -> (i32, i32) {
    %c0_i32 = arith.constant 0 : i32
    %c0_i32_0 = arith.constant 0 : i32
    return %arg0, %c0_i32 : i32, i32
  }
  func.func @transform_2(%arg0: i32) -> (i32, i32) {
    %c0_i32 = arith.constant 0 : i32
    %c0_i32_0 = arith.constant 0 : i32
    %c0_i32_1 = arith.constant 0 : i32
    return %c0_i32, %c0_i32_0 : i32, i32
  }
  func.func @transform_3(%arg0: i32) -> (i32, i32) {
    %c0_i32 = arith.constant 0 : i32
    %c0_i32_0 = arith.constant 0 : i32
    %c0_i32_1 = arith.constant 0 : i32
    return %c0_i32, %c0_i32_0 : i32, i32
  }
  func.func @transform_4(%arg0: i32) -> (i32, i32) {
    %c0_i32 = arith.constant 0 : i32
    %c0_i32_0 = arith.constant 0 : i32
    return %arg0, %c0_i32 : i32, i32
  }
}

</mosaic_0001>

<sc_bundles>
// kernel: kernel.10.cloned.1.call-start
scs
__scs_entry_jumppad:
0x0: {  	(pc) =	sbr.rel $0x88, $3  }
0x1: {  	(tag) =	ssettag $0x0;
	lr =	simm.s32 $0x1  }
0x2: {  	[smem:$0x3F96] =	sst lr;
	_ =	strace $0xD0000000  }
0x3: {  	_ = 	snop  }
0x4: {  	_ = 	snop  }
0x5: {  	_ = 	snop  }
0x6: {  	_ = 	snop  }
0x7: {  	_ = 	snop  }
__scs_overlays_trampoline_lowered:
0x8: {  	[smem:$0x3FA5] =	sst s0  }
0x9: {  	[smem:$0x3FA6] =	sst s1  }
0xa: {  	[smem:$0x3FA7] =	sst s2  }
0xb: {  	[smem:$0x3FA8] =	sst s3  }
0xc: {  	[smem:$0x3FA9] =	sst s4  }
0xd: {  	[smem:$0x3FAA] =	sst s5  }
0xe: {  	[smem:$0x3FAB] =	sst s6  }
0xf: {  	[smem:$0x3FAC] =	sst s7  }
0x10: {  	[smem:$0x3FAD] =	sst s8  }
0x11: {  	[smem:$0x3FAE] =	sst s9;
	s0 =	simm.s32 @!p0 $0x0  }
0x12: {  	s1 =	sld [smem:$0x3F94];
	s0 =	simm.s32 @p0 $0x1  }
0x13: {  	[smem:$0x3FAF] =	sst s0;
	s0 =	simm.s32 @!p1 $0x0  }
0x14: {  	s2 =	sld [smem:$0x3F93];
	s0 =	simm.s32 @p1 $0x1  }
0x15: {  	[smem:$0x3FB0] =	sst s0;
	s0 =	simm.s32 @!p2 $0x0  }
0x16: {  	s3 =	sld [smem:$0x3FDB];
	s0 =	simm.s32 @p2 $0x1  }
0x17: {  	s4 =	simm.s32 $0x1BF5;
	[smem:$0x3FB2] =	sst s0  }
0x18: {  	s0 =	sld [smem:$0x3F95];
	_ =	swait.ge [sflag:s4], $0x0  }
0x19: {  	s7 =	sld [smem:$0x3F96]  }
0x1a: {  	s8 =	sadd.s32 $0xFFFFE003, lr  }
0x1b: {  	s9 =	sadd.s32 $0xFFFFFEF7, lr;
	s5 =	simm.s32 $0xFFFFFFFF;
	p2 =	slt.u32 s8, $0xFFFFF086  }
0x1c: {  	p1 =	slt.u32 s9, $0xF7A;
	s5 =	simm.s32 @!p2 $0x0  }
0x1d: {  	s5 =	simm.s32 @p1 $0x1;
	p0 =	seq.s32 s7, s2  }
0x1e: {  	s7 =	smul.u32 @!p0 $0xF7A, s2;
	p2 =	seq.s32 @!p0 s5, $0x0  }
0x1f: {  	s9 =	smul.u32 $0xF7A, s1;
	s8 =	simm.s32 @!p0 $0x1BF5;
	p2 =	por !p2, p0  }
0x20: {  	[sflag:s8] =	ssyncset.s32 @!p0 $0xFFFFF086;
	s6 =	sadd.s32 @!p0 s3, s7;
	s7 =	simm.s32 @!p0 $0x108  }
0x21: {  	s3 =	sadd.s32 s3, s9;
	s6 =	sadd.s32 @!p0 $0x88, s6;
	s7 =	simm.s32 @p2 $0x1082  }
0x22: {  	[simem:s7], [sflag:s8] =	dma.local @!p0 [hbm:s6], $0xF7A  }
0x23: {  	s9 =	sor.u32 $0xD0000000, s2;
	s6 =	simm.s32 $0x108;
	_ =	swait.ge @!p0 [sflag:s8], $0x0  }
0x24: {  	s3 =	sadd.s32 $0x88, s3;
	s6 =	simm.s32 @!p1 $0x1082;
	[sflag:s4] =	ssyncset.s32 $0xFFFFF086  }
0x25: {  	[simem:s6], [sflag:s4] =	dma.local [hbm:s3], $0xF7A  }
0x26: {  	[smem:$0x3F96] =	sst s1;
	(tag) =	ssettag s2;
	_ =	strace s9  }
0x27: {  	s1 =	sld [smem:$0x3FA6]  }
0x28: {  	s2 =	sld [smem:$0x3FA7]  }
0x29: {  	s4 =	sld [smem:$0x3FA9]  }
0x2a: {  	p0 =	seq.s32 s5, $0x0;
	s5 =	sld [smem:$0x3FAA]  }
0x2b: {  	s6 =	sld [smem:$0x3FAB]  }
0x2c: {  	s7 =	sld [smem:$0x3FAC]  }
0x2d: {  	s3 =	simm.s32 $0x108;
	s8 =	sld [smem:$0x3FAD]  }
0x2e: {  	s3 =	simm.s32 @!p0 $0x1082;
	s9 =	sld [smem:$0x3FAE]  }
0x2f: {  	lr =	sadd.s32 s0, s3;
	s0 =	sld [smem:$0x3FA5]  }
0x30: {  	s3 =	sld [smem:$0x3FA8]  }
0x31: {  	[smem:$0x3FB1] =	sst s10  }
0x32: {  	s10 =	sld [smem:$0x3FAF];
	_ =	sdelay $0x3  }
0x33: {  	p0 =	seq.s32 s10, $0x1;
	s10 =	sld [smem:$0x3FB1];
	_ =	sdelay $0x3  }
0x34: {  	[smem:$0x3FB1] =	sst s10  }
0x35: {  	s10 =	sld [smem:$0x3FB0];
	_ =	sdelay $0x3  }
0x36: {  	p1 =	seq.s32 s10, $0x1;
	s10 =	sld [smem:$0x3FB1];
	_ =	sdelay $0x3  }
0x37: {  	[smem:$0x3FB1] =	sst s10  }
0x38: {  	s10 =	sld [smem:$0x3FB2]  }
0x39: {  	_ = 	snop;
	(pc) =	sbr.ind lr, $3  }
0x3a: {  	_ = 	snop  }
0x3b: {  	_ = 	snop  }
0x3c: {  	p2 =	seq.s32 s10, $0x1;
	s10 =	sld [smem:$0x3FB1]  }
0x3d: {  	_ =	shalt  }
0x3e: {  	_ =	shalt  }
0x3f: {  	_ =	shalt  }
0x40: {  	_ =	shalt  }
0x41: {  	_ =	shalt  }
0x42: {  	_ =	shalt  }
0x43: {  	_ =	shalt  }
0x44: {  	_ =	shalt  }
0x45: {  	_ =	shalt  }
0x46: {  	_ =	shalt  }
0x47: {  	_ =	shalt  }
0x48: {  	_ =	shalt  }
0x49: {  	_ =	shalt  }
0x4a: {  	_ =	shalt  }
0x4b: {  	_ =	shalt  }
0x4c: {  	_ =	shalt  }
0x4d: {  	_ =	shalt  }
0x4e: {  	_ =	shalt  }
0x4f: {  	_ =	shalt  }
0x50: {  	_ =	shalt  }
0x51: {  	_ =	shalt  }
0x52: {  	_ =	shalt  }
0x53: {  	_ =	shalt  }
0x54: {  	_ =	shalt  }
0x55: {  	_ =	shalt  }
0x56: {  	_ =	shalt  }
0x57: {  	_ =	shalt  }
0x58: {  	_ =	shalt  }
0x59: {  	_ =	shalt  }
0x5a: {  	_ =	shalt  }
0x5b: {  	_ =	shalt  }
0x5c: {  	_ =	shalt  }
0x5d: {  	_ =	shalt  }
0x5e: {  	_ =	shalt  }
0x5f: {  	_ =	shalt  }
0x60: {  	_ =	shalt  }
0x61: {  	_ =	shalt  }
0x62: {  	_ =	shalt  }
0x63: {  	_ =	shalt  }
0x64: {  	_ =	shalt  }
0x65: {  	_ =	shalt  }
0x66: {  	_ =	shalt  }
0x67: {  	_ =	shalt  }
0x68: {  	_ =	shalt  }
0x69: {  	_ =	shalt  }
0x6a: {  	_ =	shalt  }
0x6b: {  	_ =	shalt  }
0x6c: {  	_ =	shalt  }
0x6d: {  	_ =	shalt  }
0x6e: {  	_ =	shalt  }
0x6f: {  	_ =	shalt  }
0x70: {  	_ =	shalt  }
0x71: {  	_ =	shalt  }
0x72: {  	_ =	shalt  }
0x73: {  	_ =	shalt  }
0x74: {  	_ =	shalt  }
0x75: {  	_ =	shalt  }
0x76: {  	_ =	shalt  }
0x77: {  	_ =	shalt  }
0x78: {  	_ =	shalt  }
0x79: {  	_ =	shalt  }
0x7a: {  	_ =	shalt  }
0x7b: {  	_ =	shalt  }
0x7c: {  	_ =	shalt  }
0x7d: {  	_ =	shalt  }
0x7e: {  	_ =	shalt  }
0x7f: {  	_ =	shalt  }
0x80: {  	_ =	shalt  }
0x81: {  	_ =	shalt  }
0x82: {  	_ =	shalt  }
0x83: {  	_ =	shalt  }
0x84: {  	_ =	shalt  }
0x85: {  	_ =	shalt  }
0x86: {  	_ =	shalt  }
0x87: {  	_ =	shalt  }
.Lfunc_end0:
.L_simem_size_0:
called_computation.1_lowered:
.L_overlay_start_0:
0x88: {  	s2 =	sld [smem:$0x3FD9]  }
0x89: {  	s3 =	sld [smem:$0x3FFE];
	_ =	sdelay $0x1  }
0x8a: {  	s1 =	srdreg.scid  }
0x8b: {  	s0 =	sand.u32 $0x1, s1  }
0x8c: {  	s17 =	sshll.u32 s0, $0xA;
	s2 =	sadd.s32 s3, s2  }
0x8d: {  	s2 =	sadd.s32 s2, s17  }
0x8e: {  	[smem:$0x3FBD] =	sst s2  }
0x8f: {  	_ = 	snop  }
0x90: {  	s2 =	sld [smem:$0x3FD0];
	(tm) =	ssettm $0x1  }
0x91: {  	s18 =	sld [smem:$0x3FFB];
	_ =	sdelay $0x3  }
0x92: {  	_ =	strace s18  }
0x93: {  	s3 =	sld [smem:$0x3FFC];
	_ =	sdelay $0x3  }
0x94: {  	_ =	strace s3  }
0x95: {  	s3 =	sld [smem:$0x3FFD];
	_ =	sdelay $0x3  }
0x96: {  	_ =	strace s3  }
0x97: {  	_ =	strace $0x8FFFFFFF  }
0x98: {  	s19 =	sld [smem:$0x3FDB];
	_ =	sdelay $0x1  }
0x99: {  	s4 =	simm.s32 $_scs_section_size  }
0x9a: {  	s5 =	simm.s32 $_size__tile_overlayer_lowered;
	s6 =	simm.s32 $_tile_overlayer_lowered  }
0x9b: {  	s22 =	simm.s32 $0x1BFF;
	s21 =	sshll.u32 s6, $0x1;
	s3 =	sadd.s32 s4, s19  }
0x9c: {  	s7 =	simm.s32 $0x0;
	s20 =	sshll.u32 s5, $0x1;
	s5 =	sadd.s32 s21, s3  }
0x9d: {  	[timem:s7], [sflag:s22] =	dma.local [hbm:s5], s20  }
0x9e: {  	_ =	swait.ge [sflag:s22], s20  }
0x9f: {  	s4 =	ssub.s32 $0x0, s20;
	[sflag:s22] =	ssyncset.done $0x0  }
0xa0: {  	[sflag:s22] =	ssyncadd.s32 s4;
	_ =	sdelay $0x1  }
0xa1: {  	s23 =	simm.s32 $0x1B8B  }
0xa2: {  	_ =	swait.ge [sflag:s23], $0x1  }
0xa3: {  	[sflag:s23] =	ssyncset.done $0x0  }
0xa4: {  	s25 =	simm.s32 $0x1B8E;
	s24 =	sld [smem:$0x3FFE];
	[sflag:s23] =	ssyncadd.s32 $0xFFFFFFFF  }
0xa5: {  	s26 =	simm.s32 $execute0_lowered;
	[smem:$0x3FD2] =	sst s25  }
0xa6: {  	s5 =	sshll.u32 s26, $0x1;
	_ =	strace $0x80000049;
	[dreg:$0x1] =	wrdreg $0xFFFFFFFF  }
0xa7: {  	s28 =	simm.s32 $_size_execute0_lowered;
	s3 =	sadd.s32 s3, s5;
	[dreg:$0x0] =	wrdreg $0x0  }
0xa8: {  	s5 =	sshll.u32 s28, $0x1;
	[dreg:$0x2] =	wrdreg s3  }
0xa9: {  	[dreg:$0x3] =	wrdreg s5  }
0xaa: {  	[dreg:$0x4] =	wrdreg $0xC0  }
0xab: {  	_ =	task [dreg:s7], $0x5FFFF  }
0xac: {  	[dreg:$0x1] =	wrdreg $0xFFFFFFFF  }
0xad: {  	[dreg:$0x0] =	wrdreg $0x60  }
0xae: {  	[dreg:$0x2] =	wrdreg s2  }
0xaf: {  	[dreg:$0x3] =	wrdreg s24  }
0xb0: {  	[dreg:$0x4] =	wrdreg $0xAC000  }
0xb1: {  	[dreg:$0x5] =	wrdreg $0x9  }
0xb2: {  	_ =	task.clear_ibuf [dreg:s7], $0x6FFFF;
	_ =	strace $0x90000049  }
0xb3: {  	s29 =	simm.s32 $0x9;
	_ =	strace $0x8000004B  }
0xb4: {  	_ =	swait.ge [sflag:s29], $0x1  }
0xb5: {  	[sflag:s29] =	ssyncadd.s32 $0xFFFFFFFF  }
0xb6: {  	_ =	strace $0x9000004B  }
0xb7: {  	_ =	sfence  }
0xb8: {  	s30 =	sld [smem:$0x0];
	_ =	sdelay $0x2  }
0xb9: {  	s31 =	sshll.u32 s1, $0xD;
	s1 =	sshrl.u32 s1, $0x2  }
0xba: {  	s3 =	sand.u32 $0x4000, s31;
	s1 =	sadd.s32 s1, s30  }
0xbb: {  	s0 =	sor.u32 s3, s0;
	s1 =	sshll.u32 s1, $0x11  }
0xbc: {  	s0 =	sor.u32 s1, s0  }
0xbd: {  	s0 =	sadd.s32 $0x8F2B, s0  }
0xbe: {  	[sflag:s0] =	ssyncadd.remote.s32 $0x1  }
0xbf: {  	_ =	sfence.sel $0xFFFF  }
0xc0: {  	[dreg:$0x0] =	wrdreg $0xFFFFFFFF;
	(pc) =	sbr.abs _section_cstart, $3  }
0xc1: {  	[dreg:$0x1] =	wrdreg $0xFFFFFFFF  }
0xc2: {  	_ =	task.clear_ibuf [dreg:s7], $0x2FFFF;
	_ =	strace $0x9FFFFFFF  }
0xc3: {  	(tm) =	ssettm $0x7FFFFFFF  }
tec
execute0_lowered:
.L_overlay_start_1:
0x0: {  	(tag) =	ssettag $0x1  }
0x1: {  	s1 =	rddreg [dreg:$0x0]  }
0x2: {  	s5 =	rddreg [dreg:$0x1]  }
0x3: {  	s2 =	rddreg [dreg:$0x2]  }
0x4: {  	s0 =	rddreg [dreg:$0x3];
	s4 =	simm.s32 $0x0;
	s3 =	srdreg.scid  }
0x5: {  	s14 =	simm.s32 $0x1400;
	s15 =	simm.s32 $0x80;
	s16 =	simm.s32 $0x2800  }
0x6: {  	s17 =	simm.s32 $0x6800;
	s18 =	simm.s32 $0x1;
	s19 =	simm.s32 $0x2  }
0x7: {  	s20 =	simm.s32 $0x1380;
	s21 =	simm.s32 $0x2700;
	s22 =	simm.s32 $0x2780  }
0x8: {  	[smem:$0x7FF] =	sst s4;
	s6 =	sand.u32 $0x1, s3;
	s3 =	stileid.u32  }
0x9: {  	s9 =	sadd.s32 $0x20C00, s5;
	s10 =	sadd.s32 $0xCC00, s5;
	s7 =	smul.u32 $0x140000, s6  }
0xa: {  	_ =	strace $0x8000004A;
	s8 =	smul.u32 $0x14000, s3;
	s11 =	sshll.u32 s6, $0x4  }
0xb: {  	s28 =	smul.u32 $0x50000, s3;
	s6 =	ssub.s32 $0x2, s6;
	s26 =	sor.u32 s3, s11  }
0xc: {  	s29 =	sshrl.u32 s6, $0x1;
	s7 =	sadd.s32 s8, s7;
	s8 =	smul.u32 $0x2800, s26  }
0xd: {  	s30 =	sshrl.u32 s28, $0x2;
	s31 =	ssub.s32 s6, s29;
	s7 =	sshrl.u32 s7, $0x3  }
0xe: {  	s11 =	smax.u32 s31, $0x1;
	s12 =	sadd.s32 s7, s5;
	s8 =	sshrl.u32 s8, $0x3  }
0xf: {  	s5 =	sadd.s32 s30, s2;
	s6 =	sadd.s32 s9, s8;
	s13 =	sadd.s32 $0x280, s8  }
0x10: {  	s7 =	sadd.s32 s10, s8;
	s8 =	sadd.s32 s9, s13;
	s9 =	sadd.s32 s10, s13  }
0x11: {  	v0 =	vimm.f32 $0.0e+00;
	s10 =	sadd.s32 $0x2AC00, s12;
	s12 =	simm.s32 $0xA800;
	s13 =	simm.s32 $0x3  }
.LBB2_1:
0x12: {  	[tilespmem:$0xA800] =	vst v0  }
0x13: {  	[tilespmem:$0xA810] =	vst v0  }
0x14: {  	[tilespmem:$0xA820] =	vst v0  }
0x15: {  	[tilespmem:$0xA830] =	vst v0  }
0x16: {  	[tilespmem:$0xA840] =	vst v0  }
0x17: {  	[tilespmem:$0xA850] =	vst v0  }
0x18: {  	[tilespmem:$0xA860] =	vst v0  }
0x19: {  	[tilespmem:$0xA870] =	vst v0  }
0x1a: {  	[tilespmem:$0xA880] =	vst v0  }
0x1b: {  	[tilespmem:$0xA890] =	vst v0  }
0x1c: {  	[tilespmem:$0xA8A0] =	vst v0  }
0x1d: {  	[tilespmem:$0xA8B0] =	vst v0  }
0x1e: {  	[tilespmem:$0xA8C0] =	vst v0  }
0x1f: {  	[tilespmem:$0xA8D0] =	vst v0  }
0x20: {  	[tilespmem:$0xA8E0] =	vst v0  }
0x21: {  	[tilespmem:$0xA8F0] =	vst v0  }
0x22: {  	[tilespmem:$0xA900] =	vst v0  }
0x23: {  	[tilespmem:$0xA910] =	vst v0  }
0x24: {  	[tilespmem:$0xA920] =	vst v0  }
0x25: {  	[tilespmem:$0xA930] =	vst v0  }
0x26: {  	[tilespmem:$0xA940] =	vst v0  }
0x27: {  	[tilespmem:$0xA950] =	vst v0  }
0x28: {  	[tilespmem:$0xA960] =	vst v0  }
0x29: {  	[tilespmem:$0xA970] =	vst v0  }
0x2a: {  	[tilespmem:$0xA980] =	vst v0  }
0x2b: {  	[tilespmem:$0xA990] =	vst v0  }
0x2c: {  	[tilespmem:$0xA9A0] =	vst v0  }
0x2d: {  	[tilespmem:$0xA9B0] =	vst v0  }
0x2e: {  	[tilespmem:$0xA9C0] =	vst v0  }
0x2f: {  	[tilespmem:$0xA9D0] =	vst v0  }
0x30: {  	[tilespmem:$0xA9E0] =	vst v0  }
0x31: {  	[tilespmem:$0xA9F0] =	vst v0  }
0x32: {  	[tilespmem:$0xAA00] =	vst v0  }
0x33: {  	[tilespmem:$0xAA10] =	vst v0  }
0x34: {  	[tilespmem:$0xAA20] =	vst v0  }
0x35: {  	[tilespmem:$0xAA30] =	vst v0  }
0x36: {  	[tilespmem:$0xAA40] =	vst v0  }
0x37: {  	[tilespmem:$0xAA50] =	vst v0  }
0x38: {  	[tilespmem:$0xAA60] =	vst v0  }
0x39: {  	[tilespmem:$0xAA70] =	vst v0  }
0x3a: {  	[tilespmem:$0xAA80] =	vst v0  }
0x3b: {  	[tilespmem:$0xAA90] =	vst v0  }
0x3c: {  	[tilespmem:$0xAAA0] =	vst v0  }
0x3d: {  	[tilespmem:$0xAAB0] =	vst v0  }
0x3e: {  	[tilespmem:$0xAAC0] =	vst v0  }
0x3f: {  	[tilespmem:$0xAAD0] =	vst v0  }
0x40: {  	[tilespmem:$0xAAE0] =	vst v0  }
0x41: {  	[tilespmem:$0xAAF0] =	vst v0  }
0x42: {  	[tilespmem:$0xAB00] =	vst v0  }
0x43: {  	[tilespmem:$0xAB10] =	vst v0  }
0x44: {  	[tilespmem:$0xAB20] =	vst v0  }
0x45: {  	[tilespmem:$0xAB30] =	vst v0  }
0x46: {  	[tilespmem:$0xAB40] =	vst v0  }
0x47: {  	[tilespmem:$0xAB50] =	vst v0  }
0x48: {  	[tilespmem:$0xAB60] =	vst v0  }
0x49: {  	[tilespmem:$0xAB70] =	vst v0  }
0x4a: {  	[tilespmem:$0xAB80] =	vst v0  }
0x4b: {  	[tilespmem:$0xAB90] =	vst v0  }
0x4c: {  	[tilespmem:$0xABA0] =	vst v0  }
0x4d: {  	[tilespmem:$0xABB0] =	vst v0  }
0x4e: {  	[tilespmem:$0xABC0] =	vst v0  }
0x4f: {  	[tilespmem:$0xABD0] =	vst v0  }
0x50: {  	[tilespmem:$0xABE0] =	vst v0  }
0x51: {  	[tilespmem:$0xABF0] =	vst v0;
	s23 =	sadd.s32 $0x0, s5  }
0x52: {  	[spmem:s23] =	stream.linear.scatter [tilespmem:s12], [sflag:$0x3], $0x400, $0x38;
	[tilespmem:$0x1EC00] =	vst v63  }
0x53: {  	s23 =	simm.s32 $0x1000;
	_ =	swait.ge [sflag:s13], $0x400  }
.LBB2_2:
0x54: {  	s24 =	sshra.s32 s23, $0x2;
	[sflag:s13] =	ssyncset.done $0x0;
	p0 =	sne.s32 s23, $0x4F000  }
.Ltmp0:
0x55: {  	s24 =	sadd.s32 s24, s5;
	[sflag:s13] =	ssyncadd.s32 $0xFFFFFC00;
	(pc) =	sbr.rel @p0 .LBB2_2-.Ltmp0, $3  }
0x56: {  	[spmem:s24] =	stream.linear.scatter [tilespmem:s12], [sflag:$0x3], $0x400, $0x38;
	[tilespmem:$0x1EC00] =	vst v63  }
0x57: {  	s23 =	sadd.s32 $0x1000, s23;
	_ =	sdelay $0x1  }
0x58: {  	_ =	swait.ge [sflag:s13], $0x400  }
0x59: {  	[sflag:s13] =	ssyncset.done $0x0  }
0x5a: {  	[sflag:s13] =	ssyncadd.s32 $0xFFFFFC00  }
0x5b: {  	s23 =	simm.s32 $0x0;
	[bflag:$0x0] =	sbarrier.arrive $0xFFFF  }
0x5c: {  	[tilespmem:s23], [sflag:$0x3] =	stream.linear.gather [hbm4b:s6+s23], $0x1400, $0x38;
	[tilespmem:$0x1EC00] =	vst v63  }
0x5d: {  	_ =	swait.ge [sflag:s13], $0x1400  }
0x5e: {  	[sflag:s13] =	ssyncset.done $0x0  }
0x5f: {  	[sflag:s13] =	ssyncadd.s32 $0xFFFFEC00  }
0x60: {  	[tilespmem:s14], [sflag:$0x3] =	stream.linear.gather [hbm4b:s7+s23], $0x1400, $0x38;
	[tilespmem:$0x1EC00] =	vst v63  }
0x61: {  	_ =	swait.ge [sflag:s13], $0x1400  }
0x62: {  	[sflag:s13] =	ssyncset.done $0x0  }
0x63: {  	[sflag:s13] =	ssyncadd.s32 $0xFFFFEC00  }
0x64: {  	[tilespmem:s16], [sflag:$0x1] =	stream.indirect.gather [hbm4b:s1+s15], $0x80, s23, s15, $0xb8;
	[tilespmem:$0x1EC00] =	vst v63  }
0x65: {  	s28 =	simm.s32 $0x80  }
0x66: {  	[tilespmem:s17], [sflag:$0x2] =	stream.indirect.gather [hbm4b:s1+s15], $0x80, s28, s15, $0xb8;
	[tilespmem:$0x1EC00] =	vst v63  }
0x67: {  	_ =	swait.ge [sflag:s18], $0x4000  }
0x68: {  	[sflag:s18] =	ssyncset.done $0x0  }
0x69: {  	s29 =	simm.s32 $0x1400;
	[sflag:s18] =	ssyncadd.s32 $0xFFFFC000  }
0x6a: {  	[spmem:s2] =	stream.indirect.scatter.add.f32 [tilespmem:s16], [sflag:$0x3], $0x80, s29, s15, $0xb8;
	[tilespmem:$0x1EC00] =	vst v63  }
0x6b: {  	_ =	swait.ge [sflag:s13], $0x4000  }
0x6c: {  	[sflag:s13] =	ssyncset.done $0x0  }
0x6d: {  	s30 =	simm.s32 $0x100;
	[sflag:s13] =	ssyncadd.s32 $0xFFFFC000  }
0x6e: {  	[tilespmem:s16], [sflag:$0x1] =	stream.indirect.gather [hbm4b:s1+s15], $0x80, s30, s15, $0xb8;
	[tilespmem:$0x1EC00] =	vst v63  }
0x6f: {  	_ =	swait.ge [sflag:s19], $0x4000  }
0x70: {  	[sflag:s19] =	ssyncset.done $0x0  }
0x71: {  	s31 =	simm.s32 $0x1480;
	[sflag:s19] =	ssyncadd.s32 $0xFFFFC000  }
0x72: {  	[spmem:s2] =	stream.indirect.scatter.add.f32 [tilespmem:s17], [sflag:$0x3], $0x80, s31, s15, $0xb8;
	[tilespmem:$0x1EC00] =	vst v63  }
0x73: {  	_ =	swait.ge [sflag:s13], $0x4000  }
0x74: {  	s24 =	simm.s32 $0x800;
	s23 =	simm.s32 $0x100;
	[sflag:s13] =	ssyncset.done $0x0  }
.LBB2_4:
0x75: {  	s25 =	sadd.s32 $0x80, s23  }
0x76: {  	[sflag:s13] =	ssyncadd.s32 $0xFFFFC000;
	s26 =	smov.u32 s24;
	s28 =	sadd.s32 $0x400, s24  }
0x77: {  	[tilespmem:s17], [sflag:$0x2] =	stream.indirect.gather [hbm4b:s1+s15], $0x80, s25, s15, $0xb8;
	[tilespmem:$0x1EC00] =	vst v63  }
0x78: {  	p0 =	sne.s32 s24, $0x4800;
	_ =	swait.ge [sflag:s18], $0x4000  }
0x79: {  	[sflag:s18] =	ssyncset.done $0x0  }
0x7a: {  	s24 =	sadd.s32 $0x1400, s23;
	[sflag:s18] =	ssyncadd.s32 $0xFFFFC000  }
0x7b: {  	[spmem:s2] =	stream.indirect.scatter.add.f32 [tilespmem:s16], [sflag:$0x3], $0x80, s24, s15, $0xb8;
	[tilespmem:$0x1EC00] =	vst v63  }
0x7c: {  	_ =	swait.ge [sflag:s13], $0x4000  }
0x7d: {  	[sflag:s13] =	ssyncset.done $0x0  }
0x7e: {  	s24 =	sadd.s32 $0x100, s23;
	[sflag:s13] =	ssyncadd.s32 $0xFFFFC000  }
0x7f: {  	[tilespmem:s16], [sflag:$0x1] =	stream.indirect.gather [hbm4b:s1+s15], $0x80, s24, s15, $0xb8;
	[tilespmem:$0x1EC00] =	vst v63  }
0x80: {  	_ =	swait.ge [sflag:s19], $0x4000  }
.Ltmp1:
0x81: {  	[sflag:s19] =	ssyncset.done $0x0;
	(pc) =	sbr.rel @p0 .LBB2_4-.Ltmp1, $4  }
0x82: {  	s23 =	sadd.s32 $0x1480, s23;
	[sflag:s19] =	ssyncadd.s32 $0xFFFFC000  }
0x83: {  	[spmem:s2] =	stream.indirect.scatter.add.f32 [tilespmem:s17], [sflag:$0x3], $0x80, s23, s15, $0xb8;
	[tilespmem:$0x1EC00] =	vst v63  }
0x84: {  	_ =	swait.ge [sflag:s13], $0x4000  }
0x85: {  	s24 =	smov.u32 s28;
	s23 =	sshra.s32 s26, $0x2;
	[sflag:s13] =	ssyncset.done $0x0  }
0x86: {  	s24 =	sadd.s32 $0x80, s23;
	[sflag:s13] =	ssyncadd.s32 $0xFFFFC000  }
0x87: {  	[tilespmem:s17], [sflag:$0x2] =	stream.indirect.gather [hbm4b:s1+s15], $0x80, s24, s15, $0xb8;
	[tilespmem:$0x1EC00] =	vst v63  }
0x88: {  	_ =	swait.ge [sflag:s18], $0x4000  }
0x89: {  	[sflag:s18] =	ssyncset.done $0x0  }
0x8a: {  	s30 =	sadd.s32 $0x1400, s23;
	[sflag:s18] =	ssyncadd.s32 $0xFFFFC000  }
0x8b: {  	[spmem:s2] =	stream.indirect.scatter.add.f32 [tilespmem:s16], [sflag:$0x3], $0x80, s30, s15, $0xb8;
	[tilespmem:$0x1EC00] =	vst v63  }
0x8c: {  	_ =	swait.ge [sflag:s13], $0x4000  }
0x8d: {  	[sflag:s13] =	ssyncset.done $0x0  }
0x8e: {  	s31 =	sadd.s32 $0x100, s23;
	[sflag:s13] =	ssyncadd.s32 $0xFFFFC000  }
0x8f: {  	[tilespmem:s16], [sflag:$0x1] =	stream.indirect.gather [hbm4b:s1+s15], $0x80, s31, s15, $0xb8;
	[tilespmem:$0x1EC00] =	vst v63  }
0x90: {  	_ =	swait.ge [sflag:s19], $0x4000  }
0x91: {  	[sflag:s19] =	ssyncset.done $0x0  }
0x92: {  	s25 =	sadd.s32 $0x1480, s23;
	[sflag:s19] =	ssyncadd.s32 $0xFFFFC000  }
0x93: {  	[spmem:s2] =	stream.indirect.scatter.add.f32 [tilespmem:s17], [sflag:$0x3], $0x80, s25, s15, $0xb8;
	[tilespmem:$0x1EC00] =	vst v63  }
0x94: {  	_ =	swait.ge [sflag:s13], $0x4000  }
0x95: {  	[sflag:s13] =	ssyncset.done $0x0  }
0x96: {  	[sflag:s13] =	ssyncadd.s32 $0xFFFFC000  }
0x97: {  	[tilespmem:s17], [sflag:$0x2] =	stream.indirect.gather [hbm4b:s1+s15], $0x80, s20, s15, $0xb8;
	[tilespmem:$0x1EC00] =	vst v63  }
0x98: {  	_ =	swait.ge [sflag:s18], $0x4000  }
0x99: {  	[sflag:s18] =	ssyncset.done $0x0  }
0x9a: {  	[sflag:s18] =	ssyncadd.s32 $0xFFFFC000  }
0x9b: {  	[spmem:s2] =	stream.indirect.scatter.add.f32 [tilespmem:s16], [sflag:$0x3], $0x80, s21, s15, $0xb8;
	[tilespmem:$0x1EC00] =	vst v63  }
0x9c: {  	_ =	swait.ge [sflag:s13], $0x4000  }
0x9d: {  	[sflag:s13] =	ssyncset.done $0x0  }
0x9e: {  	[sflag:s13] =	ssyncadd.s32 $0xFFFFC000  }
0x9f: {  	_ =	swait.ge [sflag:s19], $0x4000  }
0xa0: {  	[sflag:s19] =	ssyncset.done $0x0  }
0xa1: {  	[sflag:s19] =	ssyncadd.s32 $0xFFFFC000  }
0xa2: {  	[spmem:s2] =	stream.indirect.scatter.add.f32 [tilespmem:s17], [sflag:$0x3], $0x80, s22, s15, $0xb8;
	[tilespmem:$0x1EC00] =	vst v63  }
0xa3: {  	_ =	swait.ge [sflag:s13], $0x4000  }
0xa4: {  	[sflag:s13] =	ssyncset.done $0x0  }
0xa5: {  	s26 =	simm.s32 $0x0;
	[sflag:s13] =	ssyncadd.s32 $0xFFFFC000  }
0xa6: {  	[tilespmem:s26], [sflag:$0x3] =	stream.linear.gather [hbm4b:s8+s26], $0x1400, $0x38;
	[tilespmem:$0x1EC00] =	vst v63  }
0xa7: {  	_ =	swait.ge [sflag:s13], $0x1400  }
0xa8: {  	[sflag:s13] =	ssyncset.done $0x0  }
0xa9: {  	[sflag:s13] =	ssyncadd.s32 $0xFFFFEC00  }
0xaa: {  	[tilespmem:s14], [sflag:$0x3] =	stream.linear.gather [hbm4b:s9+s26], $0x1400, $0x38;
	[tilespmem:$0x1EC00] =	vst v63  }
0xab: {  	_ =	swait.ge [sflag:s13], $0x1400  }
0xac: {  	[sflag:s13] =	ssyncset.done $0x0  }
0xad: {  	[sflag:s13] =	ssyncadd.s32 $0xFFFFEC00  }
0xae: {  	[tilespmem:s16], [sflag:$0x1] =	stream.indirect.gather [hbm4b:s1+s15], $0x80, s26, s15, $0xb8;
	[tilespmem:$0x1EC00] =	vst v63  }
0xaf: {  	s28 =	simm.s32 $0x80  }
0xb0: {  	[tilespmem:s17], [sflag:$0x2] =	stream.indirect.gather [hbm4b:s1+s15], $0x80, s28, s15, $0xb8;
	[tilespmem:$0x1EC00] =	vst v63  }
0xb1: {  	_ =	swait.ge [sflag:s18], $0x4000  }
0xb2: {  	[sflag:s18] =	ssyncset.done $0x0  }
0xb3: {  	s29 =	simm.s32 $0x1400;
	[sflag:s18] =	ssyncadd.s32 $0xFFFFC000  }
0xb4: {  	[spmem:s2] =	stream.indirect.scatter.add.f32 [tilespmem:s16], [sflag:$0x3], $0x80, s29, s15, $0xb8;
	[tilespmem:$0x1EC00] =	vst v63  }
0xb5: {  	_ =	swait.ge [sflag:s13], $0x4000  }
0xb6: {  	[sflag:s13] =	ssyncset.done $0x0  }
0xb7: {  	s30 =	simm.s32 $0x100;
	[sflag:s13] =	ssyncadd.s32 $0xFFFFC000  }
0xb8: {  	[tilespmem:s16], [sflag:$0x1] =	stream.indirect.gather [hbm4b:s1+s15], $0x80, s30, s15, $0xb8;
	[tilespmem:$0x1EC00] =	vst v63  }
0xb9: {  	_ =	swait.ge [sflag:s19], $0x4000  }
0xba: {  	[sflag:s19] =	ssyncset.done $0x0  }
0xbb: {  	s31 =	simm.s32 $0x1480;
	[sflag:s19] =	ssyncadd.s32 $0xFFFFC000  }
0xbc: {  	[spmem:s2] =	stream.indirect.scatter.add.f32 [tilespmem:s17], [sflag:$0x3], $0x80, s31, s15, $0xb8;
	[tilespmem:$0x1EC00] =	vst v63  }
0xbd: {  	_ =	swait.ge [sflag:s13], $0x4000  }
0xbe: {  	s23 =	simm.s32 $0x100;
	s24 =	simm.s32 $0x800;
	[sflag:s13] =	ssyncset.done $0x0  }
.LBB2_6:
0xbf: {  	s25 =	sadd.s32 $0x80, s23  }
0xc0: {  	[sflag:s13] =	ssyncadd.s32 $0xFFFFC000;
	s26 =	smov.u32 s24;
	s28 =	sadd.s32 $0x400, s24  }
0xc1: {  	[tilespmem:s17], [sflag:$0x2] =	stream.indirect.gather [hbm4b:s1+s15], $0x80, s25, s15, $0xb8;
	[tilespmem:$0x1EC00] =	vst v63  }
0xc2: {  	p0 =	sne.s32 s24, $0x4800;
	_ =	swait.ge [sflag:s18], $0x4000  }
0xc3: {  	[sflag:s18] =	ssyncset.done $0x0  }
0xc4: {  	s24 =	sadd.s32 $0x1400, s23;
	[sflag:s18] =	ssyncadd.s32 $0xFFFFC000  }
0xc5: {  	[spmem:s2] =	stream.indirect.scatter.add.f32 [tilespmem:s16], [sflag:$0x3], $0x80, s24, s15, $0xb8;
	[tilespmem:$0x1EC00] =	vst v63  }
0xc6: {  	_ =	swait.ge [sflag:s13], $0x4000  }
0xc7: {  	[sflag:s13] =	ssyncset.done $0x0  }
0xc8: {  	s24 =	sadd.s32 $0x100, s23;
	[sflag:s13] =	ssyncadd.s32 $0xFFFFC000  }
0xc9: {  	[tilespmem:s16], [sflag:$0x1] =	stream.indirect.gather [hbm4b:s1+s15], $0x80, s24, s15, $0xb8;
	[tilespmem:$0x1EC00] =	vst v63  }
0xca: {  	_ =	swait.ge [sflag:s19], $0x4000  }
.Ltmp2:
0xcb: {  	[sflag:s19] =	ssyncset.done $0x0;
	(pc) =	sbr.rel @p0 .LBB2_6-.Ltmp2, $4  }
0xcc: {  	s23 =	sadd.s32 $0x1480, s23;
	[sflag:s19] =	ssyncadd.s32 $0xFFFFC000  }
0xcd: {  	[spmem:s2] =	stream.indirect.scatter.add.f32 [tilespmem:s17], [sflag:$0x3], $0x80, s23, s15, $0xb8;
	[tilespmem:$0x1EC00] =	vst v63  }
0xce: {  	_ =	swait.ge [sflag:s13], $0x4000  }
0xcf: {  	s24 =	smov.u32 s28;
	s23 =	sshra.s32 s26, $0x2;
	[sflag:s13] =	ssyncset.done $0x0  }
0xd0: {  	s24 =	sadd.s32 $0x80, s23;
	[sflag:s13] =	ssyncadd.s32 $0xFFFFC000  }
0xd1: {  	[tilespmem:s17], [sflag:$0x2] =	stream.indirect.gather [hbm4b:s1+s15], $0x80, s24, s15, $0xb8;
	[tilespmem:$0x1EC00] =	vst v63  }
0xd2: {  	_ =	swait.ge [sflag:s18], $0x4000  }
0xd3: {  	[sflag:s18] =	ssyncset.done $0x0  }
0xd4: {  	s26 =	sadd.s32 $0x1400, s23;
	[sflag:s18] =	ssyncadd.s32 $0xFFFFC000  }
0xd5: {  	[spmem:s2] =	stream.indirect.scatter.add.f32 [tilespmem:s16], [sflag:$0x3], $0x80, s26, s15, $0xb8;
	[tilespmem:$0x1EC00] =	vst v63  }
0xd6: {  	_ =	swait.ge [sflag:s13], $0x4000  }
0xd7: {  	[sflag:s13] =	ssyncset.done $0x0  }
0xd8: {  	s28 =	sadd.s32 $0x100, s23;
	[sflag:s13] =	ssyncadd.s32 $0xFFFFC000  }
0xd9: {  	[tilespmem:s16], [sflag:$0x1] =	stream.indirect.gather [hbm4b:s1+s15], $0x80, s28, s15, $0xb8;
	[tilespmem:$0x1EC00] =	vst v63  }
0xda: {  	_ =	swait.ge [sflag:s19], $0x4000  }
0xdb: {  	[sflag:s19] =	ssyncset.done $0x0  }
0xdc: {  	s29 =	sadd.s32 $0x1480, s23;
	[sflag:s19] =	ssyncadd.s32 $0xFFFFC000  }
0xdd: {  	[spmem:s2] =	stream.indirect.scatter.add.f32 [tilespmem:s17], [sflag:$0x3], $0x80, s29, s15, $0xb8;
	[tilespmem:$0x1EC00] =	vst v63  }
0xde: {  	_ =	swait.ge [sflag:s13], $0x4000  }
0xdf: {  	[sflag:s13] =	ssyncset.done $0x0  }
0xe0: {  	[sflag:s13] =	ssyncadd.s32 $0xFFFFC000  }
0xe1: {  	[tilespmem:s17], [sflag:$0x2] =	stream.indirect.gather [hbm4b:s1+s15], $0x80, s20, s15, $0xb8;
	[tilespmem:$0x1EC00] =	vst v63  }
0xe2: {  	_ =	swait.ge [sflag:s18], $0x4000  }
0xe3: {  	[sflag:s18] =	ssyncset.done $0x0  }
0xe4: {  	[sflag:s18] =	ssyncadd.s32 $0xFFFFC000  }
0xe5: {  	[spmem:s2] =	stream.indirect.scatter.add.f32 [tilespmem:s16], [sflag:$0x3], $0x80, s21, s15, $0xb8;
	[tilespmem:$0x1EC00] =	vst v63  }
0xe6: {  	_ =	swait.ge [sflag:s13], $0x4000  }
0xe7: {  	[sflag:s13] =	ssyncset.done $0x0  }
0xe8: {  	[sflag:s13] =	ssyncadd.s32 $0xFFFFC000  }
0xe9: {  	_ =	swait.ge [sflag:s19], $0x4000  }
0xea: {  	[sflag:s19] =	ssyncset.done $0x0  }
0xeb: {  	[sflag:s19] =	ssyncadd.s32 $0xFFFFC000  }
0xec: {  	[spmem:s2] =	stream.indirect.scatter.add.f32 [tilespmem:s17], [sflag:$0x3], $0x80, s22, s15, $0xb8;
	[tilespmem:$0x1EC00] =	vst v63  }
0xed: {  	_ =	swait.ge [sflag:s13], $0x4000  }
0xee: {  	s30 =	sshll.u32 s3, $0x6;
	s4 =	sadd.s32 $0x1, s4;
	[sflag:s13] =	ssyncset.done $0x0  }
0xef: {  	s31 =	sshrl.u32 s5, $0x3;
	p0 =	sne.s32 s4, s11;
	[sflag:s13] =	ssyncadd.s32 $0xFFFFC000  }
.Ltmp3:
0xf0: {  	s23 =	sor.u32 $0x1C03, s30;
	[bflag:$0x0] =	sbarrier.arrive $0xFFFF;
	(pc) =	sbr.rel @p0 .LBB2_1-.Ltmp3, $4  }
0xf1: {  	[hbm:s10], [sflag:s23] =	dma.local [spmem:s31], $0x2800  }
0xf2: {  	_ =	swait.ge [sflag:s13], $0x2800  }
0xf3: {  	[sflag:s13] =	ssyncset.done $0x0  }
0xf4: {  	[sflag:s13] =	ssyncadd.s32 $0xFFFFD800  }
0xf5: {  	_ =	sfence.sel $0x180000  }
0xf6: {  	[bflag:$0x0] =	sbarrier.arrive $0xFFFF  }
0xf7: {  	p0 =	sne.s32 s3, $0x0;
	_ =	strace $0x9000004A  }
0xf8: {  	s0 =	sadd.s32 @!p0 $0x100000, s0;
	[bflag:$0x2] =	sbarrier.arrive $0xFFFF  }
0xf9: {  	[sflag:s0] =	ssyncadd.tile.s32 @!p0 $0x1;
	_ =	shalt  }
.Lfunc_end2:
_tile_overlayer_lowered:
.L_overlay_start_2:
0xfa: {  	(tag) =	ssettag $0x2  }
0xfb: {  	s0 =	rddreg [dreg:$0x0];
	s2 =	stileid.u32  }
0xfc: {  	s1 =	rddreg [dreg:$0x1];
	p0 =	sne.s32 s2, $0x0  }
0xfd: {  	s3 =	rddreg [dreg:$0x2];
	[bflag:$0x3] =	sbarrier.arrive $0xFFFF;
	s2 =	simm.s32 @!p0 $0x1C03  }
0xfe: {  	[timem:s3], [sflag:s2] =	dma.local @!p0 [hbm:s0], s1  }
0xff: {  	s0 =	simm.s32 @!p0 $0x3  }
0x100: {  	_ =	swait.ge @!p0 [sflag:s0], s1  }
0x101: {  	s1 =	ssub.s32 @!p0 $0x0, s1;
	[sflag:s0] =	ssyncset.done @!p0 $0x0  }
0x102: {  	[sflag:s0] =	ssyncadd.s32 @!p0 s1  }
0x103: {  	[bflag:$0x3] =	sbarrier.arrive $0xFFFF  }
0x104: {  	_ =	shalt  }

// kernel: kernel.7.cloned.1.call-start
scs
__scs_entry_jumppad:
0x0: {  	(pc) =	sbr.rel $0x88, $3  }
0x1: {  	(tag) =	ssettag $0x0;
	lr =	simm.s32 $0x1  }
0x2: {  	[smem:$0x3F96] =	sst lr;
	_ =	strace $0xD0000000  }
0x3: {  	_ = 	snop  }
0x4: {  	_ = 	snop  }
0x5: {  	_ = 	snop  }
0x6: {  	_ = 	snop  }
0x7: {  	_ = 	snop  }
__scs_overlays_trampoline_lowered:
0x8: {  	[smem:$0x3FA5] =	sst s0  }
0x9: {  	[smem:$0x3FA6] =	sst s1  }
0xa: {  	[smem:$0x3FA7] =	sst s2  }
0xb: {  	[smem:$0x3FA8] =	sst s3  }
0xc: {  	[smem:$0x3FA9] =	sst s4  }
0xd: {  	[smem:$0x3FAA] =	sst s5  }
0xe: {  	[smem:$0x3FAB] =	sst s6  }
0xf: {  	[smem:$0x3FAC] =	sst s7  }
0x10: {  	[smem:$0x3FAD] =	sst s8  }
0x11: {  	[smem:$0x3FAE] =	sst s9;
	s0 =	simm.s32 @!p0 $0x0  }
0x12: {  	s1 =	sld [smem:$0x3F94];
	s0 =	simm.s32 @p0 $0x1  }
0x13: {  	[smem:$0x3FAF] =	sst s0;
	s0 =	simm.s32 @!p1 $0x0  }
0x14: {  	s2 =	sld [smem:$0x3F93];
	s0 =	simm.s32 @p1 $0x1  }
0x15: {  	[smem:$0x3FB0] =	sst s0;
	s0 =	simm.s32 @!p2 $0x0  }
0x16: {  	s3 =	sld [smem:$0x3FDB];
	s0 =	simm.s32 @p2 $0x1  }
0x17: {  	s4 =	simm.s32 $0x1BF5;
	[smem:$0x3FB2] =	sst s0  }
0x18: {  	s0 =	sld [smem:$0x3F95];
	_ =	swait.ge [sflag:s4], $0x0  }
0x19: {  	s7 =	sld [smem:$0x3F96]  }
0x1a: {  	s8 =	sadd.s32 $0xFFFFE003, lr  }
0x1b: {  	s9 =	sadd.s32 $0xFFFFFEF7, lr;
	s5 =	simm.s32 $0xFFFFFFFF;
	p2 =	slt.u32 s8, $0xFFFFF086  }
0x1c: {  	p1 =	slt.u32 s9, $0xF7A;
	s5 =	simm.s32 @!p2 $0x0  }
0x1d: {  	s5 =	simm.s32 @p1 $0x1;
	p0 =	seq.s32 s7, s2  }
0x1e: {  	s7 =	smul.u32 @!p0 $0xF7A, s2;
	p2 =	seq.s32 @!p0 s5, $0x0  }
0x1f: {  	s9 =	smul.u32 $0xF7A, s1;
	s8 =	simm.s32 @!p0 $0x1BF5;
	p2 =	por !p2, p0  }
0x20: {  	[sflag:s8] =	ssyncset.s32 @!p0 $0xFFFFF086;
	s6 =	sadd.s32 @!p0 s3, s7;
	s7 =	simm.s32 @!p0 $0x108  }
0x21: {  	s3 =	sadd.s32 s3, s9;
	s6 =	sadd.s32 @!p0 $0x88, s6;
	s7 =	simm.s32 @p2 $0x1082  }
0x22: {  	[simem:s7], [sflag:s8] =	dma.local @!p0 [hbm:s6], $0xF7A  }
0x23: {  	s9 =	sor.u32 $0xD0000000, s2;
	s6 =	simm.s32 $0x108;
	_ =	swait.ge @!p0 [sflag:s8], $0x0  }
0x24: {  	s3 =	sadd.s32 $0x88, s3;
	s6 =	simm.s32 @!p1 $0x1082;
	[sflag:s4] =	ssyncset.s32 $0xFFFFF086  }
0x25: {  	[simem:s6], [sflag:s4] =	dma.local [hbm:s3], $0xF7A  }
0x26: {  	[smem:$0x3F96] =	sst s1;
	(tag) =	ssettag s2;
	_ =	strace s9  }
0x27: {  	s1 =	sld [smem:$0x3FA6]  }
0x28: {  	s2 =	sld [smem:$0x3FA7]  }
0x29: {  	s4 =	sld [smem:$0x3FA9]  }
0x2a: {  	p0 =	seq.s32 s5, $0x0;
	s5 =	sld [smem:$0x3FAA]  }
0x2b: {  	s6 =	sld [smem:$0x3FAB]  }
0x2c: {  	s7 =	sld [smem:$0x3FAC]  }
0x2d: {  	s3 =	simm.s32 $0x108;
	s8 =	sld [smem:$0x3FAD]  }
0x2e: {  	s3 =	simm.s32 @!p0 $0x1082;
	s9 =	sld [smem:$0x3FAE]  }
0x2f: {  	lr =	sadd.s32 s0, s3;
	s0 =	sld [smem:$0x3FA5]  }
0x30: {  	s3 =	sld [smem:$0x3FA8]  }
0x31: {  	[smem:$0x3FB1] =	sst s10  }
0x32: {  	s10 =	sld [smem:$0x3FAF];
	_ =	sdelay $0x3  }
0x33: {  	p0 =	seq.s32 s10, $0x1;
	s10 =	sld [smem:$0x3FB1];
	_ =	sdelay $0x3  }
0x34: {  	[smem:$0x3FB1] =	sst s10  }
0x35: {  	s10 =	sld [smem:$0x3FB0];
	_ =	sdelay $0x3  }
0x36: {  	p1 =	seq.s32 s10, $0x1;
	s10 =	sld [smem:$0x3FB1];
	_ =	sdelay $0x3  }
0x37: {  	[smem:$0x3FB1] =	sst s10  }
0x38: {  	s10 =	sld [smem:$0x3FB2]  }
0x39: {  	_ = 	snop;
	(pc) =	sbr.ind lr, $3  }
0x3a: {  	_ = 	snop  }
0x3b: {  	_ = 	snop  }
0x3c: {  	p2 =	seq.s32 s10, $0x1;
	s10 =	sld [smem:$0x3FB1]  }
0x3d: {  	_ =	shalt  }
0x3e: {  	_ =	shalt  }
0x3f: {  	_ =	shalt  }
0x40: {  	_ =	shalt  }
0x41: {  	_ =	shalt  }
0x42: {  	_ =	shalt  }
0x43: {  	_ =	shalt  }
0x44: {  	_ =	shalt  }
0x45: {  	_ =	shalt  }
0x46: {  	_ =	shalt  }
0x47: {  	_ =	shalt  }
0x48: {  	_ =	shalt  }
0x49: {  	_ =	shalt  }
0x4a: {  	_ =	shalt  }
0x4b: {  	_ =	shalt  }
0x4c: {  	_ =	shalt  }
0x4d: {  	_ =	shalt  }
0x4e: {  	_ =	shalt  }
0x4f: {  	_ =	shalt  }
0x50: {  	_ =	shalt  }
0x51: {  	_ =	shalt  }
0x52: {  	_ =	shalt  }
0x53: {  	_ =	shalt  }
0x54: {  	_ =	shalt  }
0x55: {  	_ =	shalt  }
0x56: {  	_ =	shalt  }
0x57: {  	_ =	shalt  }
0x58: {  	_ =	shalt  }
0x59: {  	_ =	shalt  }
0x5a: {  	_ =	shalt  }
0x5b: {  	_ =	shalt  }
0x5c: {  	_ =	shalt  }
0x5d: {  	_ =	shalt  }
0x5e: {  	_ =	shalt  }
0x5f: {  	_ =	shalt  }
0x60: {  	_ =	shalt  }
0x61: {  	_ =	shalt  }
0x62: {  	_ =	shalt  }
0x63: {  	_ =	shalt  }
0x64: {  	_ =	shalt  }
0x65: {  	_ =	shalt  }
0x66: {  	_ =	shalt  }
0x67: {  	_ =	shalt  }
0x68: {  	_ =	shalt  }
0x69: {  	_ =	shalt  }
0x6a: {  	_ =	shalt  }
0x6b: {  	_ =	shalt  }
0x6c: {  	_ =	shalt  }
0x6d: {  	_ =	shalt  }
0x6e: {  	_ =	shalt  }
0x6f: {  	_ =	shalt  }
0x70: {  	_ =	shalt  }
0x71: {  	_ =	shalt  }
0x72: {  	_ =	shalt  }
0x73: {  	_ =	shalt  }
0x74: {  	_ =	shalt  }
0x75: {  	_ =	shalt  }
0x76: {  	_ =	shalt  }
0x77: {  	_ =	shalt  }
0x78: {  	_ =	shalt  }
0x79: {  	_ =	shalt  }
0x7a: {  	_ =	shalt  }
0x7b: {  	_ =	shalt  }
0x7c: {  	_ =	shalt  }
0x7d: {  	_ =	shalt  }
0x7e: {  	_ =	shalt  }
0x7f: {  	_ =	shalt  }
0x80: {  	_ =	shalt  }
0x81: {  	_ =	shalt  }
0x82: {  	_ =	shalt  }
0x83: {  	_ =	shalt  }
0x84: {  	_ =	shalt  }
0x85: {  	_ =	shalt  }
0x86: {  	_ =	shalt  }
0x87: {  	_ =	shalt  }
.Lfunc_end0:
.L_simem_size_0:
called_computation_lowered:
.L_overlay_start_0:
0x88: {  	s2 =	sld [smem:$0x3FD9]  }
0x89: {  	s3 =	sld [smem:$0x3FFE];
	_ =	sdelay $0x1  }
0x8a: {  	s1 =	srdreg.scid  }
0x8b: {  	s0 =	sand.u32 $0x1, s1  }
0x8c: {  	s17 =	sshll.u32 s0, $0xA;
	s2 =	sadd.s32 s3, s2  }
0x8d: {  	s2 =	sadd.s32 s2, s17  }
0x8e: {  	[smem:$0x3FBD] =	sst s2  }
0x8f: {  	_ = 	snop  }
0x90: {  	s2 =	sld [smem:$0x3FD0];
	(tm) =	ssettm $0x1  }
0x91: {  	s18 =	sld [smem:$0x3FFB];
	_ =	sdelay $0x3  }
0x92: {  	_ =	strace s18  }
0x93: {  	s3 =	sld [smem:$0x3FFC];
	_ =	sdelay $0x3  }
0x94: {  	_ =	strace s3  }
0x95: {  	s3 =	sld [smem:$0x3FFD];
	_ =	sdelay $0x3  }
0x96: {  	_ =	strace s3  }
0x97: {  	_ =	strace $0x8FFFFFFF  }
0x98: {  	s19 =	sld [smem:$0x3FDB];
	_ =	sdelay $0x1  }
0x99: {  	s4 =	simm.s32 $_scs_section_size  }
0x9a: {  	s5 =	simm.s32 $_size__tile_overlayer_lowered;
	s6 =	simm.s32 $_tile_overlayer_lowered  }
0x9b: {  	s22 =	simm.s32 $0x1BFF;
	s21 =	sshll.u32 s6, $0x1;
	s3 =	sadd.s32 s4, s19  }
0x9c: {  	s7 =	simm.s32 $0x0;
	s20 =	sshll.u32 s5, $0x1;
	s5 =	sadd.s32 s21, s3  }
0x9d: {  	[timem:s7], [sflag:s22] =	dma.local [hbm:s5], s20  }
0x9e: {  	_ =	swait.ge [sflag:s22], s20  }
0x9f: {  	s4 =	ssub.s32 $0x0, s20;
	[sflag:s22] =	ssyncset.done $0x0  }
0xa0: {  	[sflag:s22] =	ssyncadd.s32 s4;
	_ =	sdelay $0x1  }
0xa1: {  	s23 =	simm.s32 $0x1B8B  }
0xa2: {  	_ =	swait.ge [sflag:s23], $0x1  }
0xa3: {  	[sflag:s23] =	ssyncset.done $0x0  }
0xa4: {  	s25 =	simm.s32 $0x1B8E;
	s24 =	sld [smem:$0x3FFE];
	[sflag:s23] =	ssyncadd.s32 $0xFFFFFFFF  }
0xa5: {  	s26 =	simm.s32 $execute0_lowered;
	[smem:$0x3FD2] =	sst s25  }
0xa6: {  	s5 =	sshll.u32 s26, $0x1;
	_ =	strace $0x80000046;
	[dreg:$0x1] =	wrdreg $0xFFFFFFFF  }
0xa7: {  	s28 =	simm.s32 $_size_execute0_lowered;
	s3 =	sadd.s32 s3, s5;
	[dreg:$0x0] =	wrdreg $0x0  }
0xa8: {  	s5 =	sshll.u32 s28, $0x1;
	[dreg:$0x2] =	wrdreg s3  }
0xa9: {  	[dreg:$0x3] =	wrdreg s5  }
0xaa: {  	[dreg:$0x4] =	wrdreg $0xC0  }
0xab: {  	_ =	task [dreg:s7], $0x5FFFF  }
0xac: {  	[dreg:$0x1] =	wrdreg $0xFFFFFFFF  }
0xad: {  	[dreg:$0x0] =	wrdreg $0x60  }
0xae: {  	[dreg:$0x2] =	wrdreg s2  }
0xaf: {  	[dreg:$0x3] =	wrdreg s24  }
0xb0: {  	[dreg:$0x4] =	wrdreg $0x154000  }
0xb1: {  	[dreg:$0x5] =	wrdreg $0x9  }
0xb2: {  	_ =	task.clear_ibuf [dreg:s7], $0x6FFFF;
	_ =	strace $0x90000046  }
0xb3: {  	s29 =	simm.s32 $0x9;
	_ =	strace $0x80000048  }
0xb4: {  	_ =	swait.ge [sflag:s29], $0x1  }
0xb5: {  	[sflag:s29] =	ssyncadd.s32 $0xFFFFFFFF  }
0xb6: {  	_ =	strace $0x90000048  }
0xb7: {  	_ =	sfence  }
0xb8: {  	s30 =	sld [smem:$0x0];
	_ =	sdelay $0x2  }
0xb9: {  	s31 =	sshll.u32 s1, $0xD;
	s1 =	sshrl.u32 s1, $0x2  }
0xba: {  	s3 =	sand.u32 $0x4000, s31;
	s1 =	sadd.s32 s1, s30  }
0xbb: {  	s0 =	sor.u32 s3, s0;
	s1 =	sshll.u32 s1, $0x11  }
0xbc: {  	s0 =	sor.u32 s1, s0  }
0xbd: {  	s0 =	sadd.s32 $0x8F2B, s0  }
0xbe: {  	[sflag:s0] =	ssyncadd.remote.s32 $0x1  }
0xbf: {  	_ =	sfence.sel $0xFFFF  }
0xc0: {  	[dreg:$0x0] =	wrdreg $0xFFFFFFFF;
	(pc) =	sbr.abs _section_cstart, $3  }
0xc1: {  	[dreg:$0x1] =	wrdreg $0xFFFFFFFF  }
0xc2: {  	_ =	task.clear_ibuf [dreg:s7], $0x2FFFF;
	_ =	strace $0x9FFFFFFF  }
0xc3: {  	(tm) =	ssettm $0x7FFFFFFF  }
tec
execute0_lowered:
.L_overlay_start_1:
0x0: {  	(tag) =	ssettag $0x1  }
0x1: {  	s1 =	rddreg [dreg:$0x0]  }
0x2: {  	s0 =	rddreg [dreg:$0x1]  }
0x3: {  	s3 =	rddreg [dreg:$0x2]  }
0x4: {  	s2 =	srdreg.scid;
	s4 =	simm.s32 $0x0;
	s11 =	simm.s32 $0x5  }
0x5: {  	s13 =	simm.s32 $0x80;
	s14 =	simm.s32 $0x5000;
	s15 =	simm.s32 $0x9000  }
0x6: {  	s16 =	simm.s32 $0x100;
	s17 =	simm.s32 $0xD000;
	s18 =	simm.s32 $0x11000  }
0x7: {  	s19 =	simm.s32 $0x1;
	s20 =	simm.s32 $0x2;
	s21 =	simm.s32 $0x3  }
0x8: {  	s22 =	simm.s32 $0x4;
	s23 =	simm.s32 $0x2780;
	s24 =	simm.s32 $0x4E00  }
0x9: {  	s25 =	simm.s32 $0x4E80;
	s5 =	sand.u32 $0x1, s2;
	s2 =	stileid.u32  }
0xa: {  	s28 =	simm.s32 $0x4F80;
	[smem:$0x7FF] =	sst s4;
	s7 =	smul.u32 $0xA0000, s5  }
0xb: {  	s6 =	sshll.u32 s5, $0x4;
	s8 =	smul.u32 $0xA000, s2;
	_ =	strace $0x80000047  }
0xc: {  	s26 =	smul.u32 $0x28000, s2;
	s5 =	ssub.s32 $0x2, s5;
	s6 =	sor.u32 s2, s6  }
0xd: {  	s30 =	sshrl.u32 s5, $0x1;
	s6 =	smul.u32 $0x500, s6;
	s7 =	sadd.s32 s8, s7  }
0xe: {  	s31 =	sshrl.u32 s26, $0x2;
	s10 =	ssub.s32 s5, s30;
	s26 =	simm.s32 $0x4F00  }
0xf: {  	s29 =	sshrl.u32 s7, $0x3;
	s5 =	sadd.s32 s31, s3;
	s9 =	sadd.s32 s6, s0  }
0x10: {  	s0 =	sadd.s32 s29, s0;
	s6 =	sadd.s32 $0x2C00, s9;
	s7 =	sadd.s32 $0x16C00, s9  }
0x11: {  	v0 =	vimm.f32 $0.0e+00;
	s8 =	sadd.s32 $0x2AC00, s0;
	s9 =	smax.u32 s10, $0x1;
	s10 =	simm.s32 $0x15000  }
.LBB2_1:
0x12: {  	[tilespmem:$0x15000] =	vst v0  }
0x13: {  	[tilespmem:$0x15010] =	vst v0  }
0x14: {  	[tilespmem:$0x15020] =	vst v0  }
0x15: {  	[tilespmem:$0x15030] =	vst v0  }
0x16: {  	[tilespmem:$0x15040] =	vst v0  }
0x17: {  	[tilespmem:$0x15050] =	vst v0  }
0x18: {  	[tilespmem:$0x15060] =	vst v0  }
0x19: {  	[tilespmem:$0x15070] =	vst v0  }
0x1a: {  	[tilespmem:$0x15080] =	vst v0  }
0x1b: {  	[tilespmem:$0x15090] =	vst v0  }
0x1c: {  	[tilespmem:$0x150A0] =	vst v0  }
0x1d: {  	[tilespmem:$0x150B0] =	vst v0  }
0x1e: {  	[tilespmem:$0x150C0] =	vst v0  }
0x1f: {  	[tilespmem:$0x150D0] =	vst v0  }
0x20: {  	[tilespmem:$0x150E0] =	vst v0  }
0x21: {  	[tilespmem:$0x150F0] =	vst v0  }
0x22: {  	[tilespmem:$0x15100] =	vst v0  }
0x23: {  	[tilespmem:$0x15110] =	vst v0  }
0x24: {  	[tilespmem:$0x15120] =	vst v0  }
0x25: {  	[tilespmem:$0x15130] =	vst v0  }
0x26: {  	[tilespmem:$0x15140] =	vst v0  }
0x27: {  	[tilespmem:$0x15150] =	vst v0  }
0x28: {  	[tilespmem:$0x15160] =	vst v0  }
0x29: {  	[tilespmem:$0x15170] =	vst v0  }
0x2a: {  	[tilespmem:$0x15180] =	vst v0  }
0x2b: {  	[tilespmem:$0x15190] =	vst v0  }
0x2c: {  	[tilespmem:$0x151A0] =	vst v0  }
0x2d: {  	[tilespmem:$0x151B0] =	vst v0  }
0x2e: {  	[tilespmem:$0x151C0] =	vst v0  }
0x2f: {  	[tilespmem:$0x151D0] =	vst v0  }
0x30: {  	[tilespmem:$0x151E0] =	vst v0  }
0x31: {  	[tilespmem:$0x151F0] =	vst v0  }
0x32: {  	[tilespmem:$0x15200] =	vst v0  }
0x33: {  	[tilespmem:$0x15210] =	vst v0  }
0x34: {  	[tilespmem:$0x15220] =	vst v0  }
0x35: {  	[tilespmem:$0x15230] =	vst v0  }
0x36: {  	[tilespmem:$0x15240] =	vst v0  }
0x37: {  	[tilespmem:$0x15250] =	vst v0  }
0x38: {  	[tilespmem:$0x15260] =	vst v0  }
0x39: {  	[tilespmem:$0x15270] =	vst v0  }
0x3a: {  	[tilespmem:$0x15280] =	vst v0  }
0x3b: {  	[tilespmem:$0x15290] =	vst v0  }
0x3c: {  	[tilespmem:$0x152A0] =	vst v0  }
0x3d: {  	[tilespmem:$0x152B0] =	vst v0  }
0x3e: {  	[tilespmem:$0x152C0] =	vst v0  }
0x3f: {  	[tilespmem:$0x152D0] =	vst v0  }
0x40: {  	[tilespmem:$0x152E0] =	vst v0  }
0x41: {  	[tilespmem:$0x152F0] =	vst v0  }
0x42: {  	[tilespmem:$0x15300] =	vst v0  }
0x43: {  	[tilespmem:$0x15310] =	vst v0  }
0x44: {  	[tilespmem:$0x15320] =	vst v0  }
0x45: {  	[tilespmem:$0x15330] =	vst v0  }
0x46: {  	[tilespmem:$0x15340] =	vst v0  }
0x47: {  	[tilespmem:$0x15350] =	vst v0  }
0x48: {  	[tilespmem:$0x15360] =	vst v0  }
0x49: {  	[tilespmem:$0x15370] =	vst v0  }
0x4a: {  	[tilespmem:$0x15380] =	vst v0  }
0x4b: {  	[tilespmem:$0x15390] =	vst v0  }
0x4c: {  	[tilespmem:$0x153A0] =	vst v0  }
0x4d: {  	[tilespmem:$0x153B0] =	vst v0  }
0x4e: {  	[tilespmem:$0x153C0] =	vst v0  }
0x4f: {  	[tilespmem:$0x153D0] =	vst v0  }
0x50: {  	[tilespmem:$0x153E0] =	vst v0  }
0x51: {  	[tilespmem:$0x153F0] =	vst v0;
	s0 =	sadd.s32 $0x0, s5  }
0x52: {  	[spmem:s0] =	stream.linear.scatter [tilespmem:s10], [sflag:$0x5], $0x400, $0x38;
	[tilespmem:$0x1F400] =	vst v63  }
0x53: {  	s29 =	simm.s32 $0x1000;
	_ =	swait.ge [sflag:s11], $0x400  }
.LBB2_2:
0x54: {  	s0 =	sshra.s32 s29, $0x2;
	[sflag:s11] =	ssyncset.done $0x0;
	p0 =	sne.s32 s29, $0x27000  }
.Ltmp0:
0x55: {  	s0 =	sadd.s32 s0, s5;
	[sflag:s11] =	ssyncadd.s32 $0xFFFFFC00;
	(pc) =	sbr.rel @p0 .LBB2_2-.Ltmp0, $3  }
0x56: {  	[spmem:s0] =	stream.linear.scatter [tilespmem:s10], [sflag:$0x5], $0x400, $0x38;
	[tilespmem:$0x1F400] =	vst v63  }
0x57: {  	s29 =	sadd.s32 $0x1000, s29;
	_ =	sdelay $0x1  }
0x58: {  	_ =	swait.ge [sflag:s11], $0x400  }
0x59: {  	[sflag:s11] =	ssyncset.done $0x0  }
0x5a: {  	[sflag:s11] =	ssyncadd.s32 $0xFFFFFC00  }
0x5b: {  	s0 =	simm.s32 $0x0;
	[bflag:$0x0] =	sbarrier.arrive $0xFFFF  }
0x5c: {  	[tilespmem:s0], [sflag:$0x5] =	stream.linear.gather [hbm4b:s6+s0], $0x2800, $0x38;
	[tilespmem:$0x1F400] =	vst v63  }
0x5d: {  	_ =	swait.ge [sflag:s11], $0x2800  }
0x5e: {  	[sflag:s11] =	ssyncset.done $0x0  }
0x5f: {  	s12 =	simm.s32 $0x2800;
	[sflag:s11] =	ssyncadd.s32 $0xFFFFD800  }
0x60: {  	[tilespmem:s12], [sflag:$0x5] =	stream.linear.gather [hbm4b:s7+s0], $0x2800, $0x38;
	[tilespmem:$0x1F400] =	vst v63  }
0x61: {  	_ =	swait.ge [sflag:s11], $0x2800  }
0x62: {  	[sflag:s11] =	ssyncset.done $0x0  }
0x63: {  	[sflag:s11] =	ssyncadd.s32 $0xFFFFD800  }
0x64: {  	[tilespmem:s14], [sflag:$0x1] =	stream.indirect.gather [hbm4b:s1+s13], $0x80, s0, s13, $0xb8;
	[tilespmem:$0x1F400] =	vst v63  }
0x65: {  	_ = 	snop  }
0x66: {  	[tilespmem:s15], [sflag:$0x2] =	stream.indirect.gather [hbm4b:s1+s13], $0x80, s13, s13, $0xb8;
	[tilespmem:$0x1F400] =	vst v63  }
0x67: {  	_ = 	snop  }
0x68: {  	[tilespmem:s17], [sflag:$0x3] =	stream.indirect.gather [hbm4b:s1+s13], $0x80, s16, s13, $0xb8;
	[tilespmem:$0x1F400] =	vst v63  }
0x69: {  	s12 =	simm.s32 $0x180  }
0x6a: {  	[tilespmem:s18], [sflag:$0x4] =	stream.indirect.gather [hbm4b:s1+s13], $0x80, s12, s13, $0xb8;
	[tilespmem:$0x1F400] =	vst v63  }
0x6b: {  	_ =	swait.ge [sflag:s19], $0x4000  }
0x6c: {  	[sflag:s19] =	ssyncset.done $0x0  }
0x6d: {  	s31 =	simm.s32 $0x2800;
	[sflag:s19] =	ssyncadd.s32 $0xFFFFC000  }
0x6e: {  	[spmem:s3] =	stream.indirect.scatter.add.f32 [tilespmem:s14], [sflag:$0x5], $0x80, s31, s13, $0xb8;
	[tilespmem:$0x1F400] =	vst v63  }
0x6f: {  	_ =	swait.ge [sflag:s11], $0x4000  }
0x70: {  	[sflag:s11] =	ssyncset.done $0x0  }
0x71: {  	s12 =	simm.s32 $0x200;
	[sflag:s11] =	ssyncadd.s32 $0xFFFFC000  }
0x72: {  	[tilespmem:s14], [sflag:$0x1] =	stream.indirect.gather [hbm4b:s1+s13], $0x80, s12, s13, $0xb8;
	[tilespmem:$0x1F400] =	vst v63  }
0x73: {  	_ =	swait.ge [sflag:s20], $0x4000  }
0x74: {  	[sflag:s20] =	ssyncset.done $0x0  }
0x75: {  	s31 =	simm.s32 $0x2880;
	[sflag:s20] =	ssyncadd.s32 $0xFFFFC000  }
0x76: {  	[spmem:s3] =	stream.indirect.scatter.add.f32 [tilespmem:s15], [sflag:$0x5], $0x80, s31, s13, $0xb8;
	[tilespmem:$0x1F400] =	vst v63  }
0x77: {  	_ =	swait.ge [sflag:s11], $0x4000  }
0x78: {  	[sflag:s11] =	ssyncset.done $0x0  }
0x79: {  	s12 =	simm.s32 $0x280;
	[sflag:s11] =	ssyncadd.s32 $0xFFFFC000  }
0x7a: {  	[tilespmem:s15], [sflag:$0x2] =	stream.indirect.gather [hbm4b:s1+s13], $0x80, s12, s13, $0xb8;
	[tilespmem:$0x1F400] =	vst v63  }
0x7b: {  	_ =	swait.ge [sflag:s21], $0x4000  }
0x7c: {  	[sflag:s21] =	ssyncset.done $0x0  }
0x7d: {  	s31 =	simm.s32 $0x2900;
	[sflag:s21] =	ssyncadd.s32 $0xFFFFC000  }
0x7e: {  	[spmem:s3] =	stream.indirect.scatter.add.f32 [tilespmem:s17], [sflag:$0x5], $0x80, s31, s13, $0xb8;
	[tilespmem:$0x1F400] =	vst v63  }
0x7f: {  	_ =	swait.ge [sflag:s11], $0x4000  }
0x80: {  	[sflag:s11] =	ssyncset.done $0x0  }
0x81: {  	s12 =	simm.s32 $0x300;
	[sflag:s11] =	ssyncadd.s32 $0xFFFFC000  }
0x82: {  	[tilespmem:s17], [sflag:$0x3] =	stream.indirect.gather [hbm4b:s1+s13], $0x80, s12, s13, $0xb8;
	[tilespmem:$0x1F400] =	vst v63  }
0x83: {  	_ =	swait.ge [sflag:s22], $0x4000  }
0x84: {  	[sflag:s22] =	ssyncset.done $0x0  }
0x85: {  	s31 =	simm.s32 $0x2980;
	[sflag:s22] =	ssyncadd.s32 $0xFFFFC000  }
0x86: {  	[spmem:s3] =	stream.indirect.scatter.add.f32 [tilespmem:s18], [sflag:$0x5], $0x80, s31, s13, $0xb8;
	[tilespmem:$0x1F400] =	vst v63  }
0x87: {  	_ =	swait.ge [sflag:s11], $0x4000  }
0x88: {  	s30 =	simm.s32 $0x1000;
	s29 =	simm.s32 $0x200;
	[sflag:s11] =	ssyncset.done $0x0  }
.LBB2_4:
0x89: {  	s12 =	sadd.s32 $0x180, s29  }
0x8a: {  	[sflag:s11] =	ssyncadd.s32 $0xFFFFC000;
	s31 =	smov.u32 s30;
	s0 =	sadd.s32 $0x800, s30  }
0x8b: {  	[tilespmem:s18], [sflag:$0x4] =	stream.indirect.gather [hbm4b:s1+s13], $0x80, s12, s13, $0xb8;
	[tilespmem:$0x1F400] =	vst v63  }
0x8c: {  	p0 =	sne.s32 s30, $0x9000;
	_ =	swait.ge [sflag:s19], $0x4000  }
0x8d: {  	[sflag:s19] =	ssyncset.done $0x0  }
0x8e: {  	s12 =	sadd.s32 $0x2800, s29;
	[sflag:s19] =	ssyncadd.s32 $0xFFFFC000  }
0x8f: {  	[spmem:s3] =	stream.indirect.scatter.add.f32 [tilespmem:s14], [sflag:$0x5], $0x80, s12, s13, $0xb8;
	[tilespmem:$0x1F400] =	vst v63  }
0x90: {  	_ =	swait.ge [sflag:s11], $0x4000  }
0x91: {  	[sflag:s11] =	ssyncset.done $0x0  }
0x92: {  	s12 =	sadd.s32 $0x200, s29;
	[sflag:s11] =	ssyncadd.s32 $0xFFFFC000  }
0x93: {  	[tilespmem:s14], [sflag:$0x1] =	stream.indirect.gather [hbm4b:s1+s13], $0x80, s12, s13, $0xb8;
	[tilespmem:$0x1F400] =	vst v63  }
0x94: {  	_ =	swait.ge [sflag:s20], $0x4000  }
0x95: {  	[sflag:s20] =	ssyncset.done $0x0  }
0x96: {  	s12 =	sadd.s32 $0x2880, s29;
	[sflag:s20] =	ssyncadd.s32 $0xFFFFC000  }
0x97: {  	[spmem:s3] =	stream.indirect.scatter.add.f32 [tilespmem:s15], [sflag:$0x5], $0x80, s12, s13, $0xb8;
	[tilespmem:$0x1F400] =	vst v63  }
0x98: {  	_ =	swait.ge [sflag:s11], $0x4000  }
0x99: {  	[sflag:s11] =	ssyncset.done $0x0  }
0x9a: {  	s12 =	sadd.s32 $0x280, s29;
	[sflag:s11] =	ssyncadd.s32 $0xFFFFC000  }
0x9b: {  	[tilespmem:s15], [sflag:$0x2] =	stream.indirect.gather [hbm4b:s1+s13], $0x80, s12, s13, $0xb8;
	[tilespmem:$0x1F400] =	vst v63  }
0x9c: {  	_ =	swait.ge [sflag:s21], $0x4000  }
0x9d: {  	[sflag:s21] =	ssyncset.done $0x0  }
0x9e: {  	s12 =	sadd.s32 $0x2900, s29;
	[sflag:s21] =	ssyncadd.s32 $0xFFFFC000  }
0x9f: {  	[spmem:s3] =	stream.indirect.scatter.add.f32 [tilespmem:s17], [sflag:$0x5], $0x80, s12, s13, $0xb8;
	[tilespmem:$0x1F400] =	vst v63  }
0xa0: {  	_ =	swait.ge [sflag:s11], $0x4000  }
0xa1: {  	[sflag:s11] =	ssyncset.done $0x0  }
0xa2: {  	s12 =	sadd.s32 $0x300, s29;
	[sflag:s11] =	ssyncadd.s32 $0xFFFFC000  }
0xa3: {  	[tilespmem:s17], [sflag:$0x3] =	stream.indirect.gather [hbm4b:s1+s13], $0x80, s12, s13, $0xb8;
	[tilespmem:$0x1F400] =	vst v63  }
0xa4: {  	_ =	swait.ge [sflag:s22], $0x4000  }
.Ltmp1:
0xa5: {  	[sflag:s22] =	ssyncset.done $0x0;
	(pc) =	sbr.rel @p0 .LBB2_4-.Ltmp1, $4  }
0xa6: {  	s12 =	sadd.s32 $0x2980, s29;
	[sflag:s22] =	ssyncadd.s32 $0xFFFFC000  }
0xa7: {  	[spmem:s3] =	stream.indirect.scatter.add.f32 [tilespmem:s18], [sflag:$0x5], $0x80, s12, s13, $0xb8;
	[tilespmem:$0x1F400] =	vst v63  }
0xa8: {  	_ =	swait.ge [sflag:s11], $0x4000  }
0xa9: {  	s30 =	smov.u32 s0;
	s29 =	sshra.s32 s31, $0x2;
	[sflag:s11] =	ssyncset.done $0x0  }
0xaa: {  	s0 =	sadd.s32 $0x180, s29;
	[sflag:s11] =	ssyncadd.s32 $0xFFFFC000  }
0xab: {  	[tilespmem:s18], [sflag:$0x4] =	stream.indirect.gather [hbm4b:s1+s13], $0x80, s0, s13, $0xb8;
	[tilespmem:$0x1F400] =	vst v63  }
0xac: {  	_ =	swait.ge [sflag:s19], $0x4000  }
0xad: {  	[sflag:s19] =	ssyncset.done $0x0  }
0xae: {  	s30 =	sadd.s32 $0x2800, s29;
	[sflag:s19] =	ssyncadd.s32 $0xFFFFC000  }
0xaf: {  	[spmem:s3] =	stream.indirect.scatter.add.f32 [tilespmem:s14], [sflag:$0x5], $0x80, s30, s13, $0xb8;
	[tilespmem:$0x1F400] =	vst v63  }
0xb0: {  	_ =	swait.ge [sflag:s11], $0x4000  }
0xb1: {  	[sflag:s11] =	ssyncset.done $0x0  }
0xb2: {  	s31 =	sadd.s32 $0x200, s29;
	[sflag:s11] =	ssyncadd.s32 $0xFFFFC000  }
0xb3: {  	[tilespmem:s14], [sflag:$0x1] =	stream.indirect.gather [hbm4b:s1+s13], $0x80, s31, s13, $0xb8;
	[tilespmem:$0x1F400] =	vst v63  }
0xb4: {  	_ =	swait.ge [sflag:s20], $0x4000  }
0xb5: {  	[sflag:s20] =	ssyncset.done $0x0  }
0xb6: {  	s12 =	sadd.s32 $0x2880, s29;
	[sflag:s20] =	ssyncadd.s32 $0xFFFFC000  }
0xb7: {  	[spmem:s3] =	stream.indirect.scatter.add.f32 [tilespmem:s15], [sflag:$0x5], $0x80, s12, s13, $0xb8;
	[tilespmem:$0x1F400] =	vst v63  }
0xb8: {  	_ =	swait.ge [sflag:s11], $0x4000  }
0xb9: {  	[sflag:s11] =	ssyncset.done $0x0  }
0xba: {  	s30 =	sadd.s32 $0x280, s29;
	[sflag:s11] =	ssyncadd.s32 $0xFFFFC000  }
0xbb: {  	[tilespmem:s15], [sflag:$0x2] =	stream.indirect.gather [hbm4b:s1+s13], $0x80, s30, s13, $0xb8;
	[tilespmem:$0x1F400] =	vst v63  }
0xbc: {  	_ =	swait.ge [sflag:s21], $0x4000  }
0xbd: {  	[sflag:s21] =	ssyncset.done $0x0  }
0xbe: {  	s31 =	sadd.s32 $0x2900, s29;
	[sflag:s21] =	ssyncadd.s32 $0xFFFFC000  }
0xbf: {  	[spmem:s3] =	stream.indirect.scatter.add.f32 [tilespmem:s17], [sflag:$0x5], $0x80, s31, s13, $0xb8;
	[tilespmem:$0x1F400] =	vst v63  }
0xc0: {  	_ =	swait.ge [sflag:s11], $0x4000  }
0xc1: {  	[sflag:s11] =	ssyncset.done $0x0  }
0xc2: {  	s12 =	sadd.s32 $0x300, s29;
	[sflag:s11] =	ssyncadd.s32 $0xFFFFC000  }
0xc3: {  	[tilespmem:s17], [sflag:$0x3] =	stream.indirect.gather [hbm4b:s1+s13], $0x80, s12, s13, $0xb8;
	[tilespmem:$0x1F400] =	vst v63  }
0xc4: {  	_ =	swait.ge [sflag:s22], $0x4000  }
0xc5: {  	[sflag:s22] =	ssyncset.done $0x0  }
0xc6: {  	s30 =	sadd.s32 $0x2980, s29;
	[sflag:s22] =	ssyncadd.s32 $0xFFFFC000  }
0xc7: {  	[spmem:s3] =	stream.indirect.scatter.add.f32 [tilespmem:s18], [sflag:$0x5], $0x80, s30, s13, $0xb8;
	[tilespmem:$0x1F400] =	vst v63  }
0xc8: {  	_ =	swait.ge [sflag:s11], $0x4000  }
0xc9: {  	[sflag:s11] =	ssyncset.done $0x0  }
0xca: {  	[sflag:s11] =	ssyncadd.s32 $0xFFFFC000  }
0xcb: {  	[tilespmem:s18], [sflag:$0x4] =	stream.indirect.gather [hbm4b:s1+s13], $0x80, s23, s13, $0xb8;
	[tilespmem:$0x1F400] =	vst v63  }
0xcc: {  	_ =	swait.ge [sflag:s19], $0x4000  }
0xcd: {  	[sflag:s19] =	ssyncset.done $0x0  }
0xce: {  	[sflag:s19] =	ssyncadd.s32 $0xFFFFC000  }
0xcf: {  	[spmem:s3] =	stream.indirect.scatter.add.f32 [tilespmem:s14], [sflag:$0x5], $0x80, s24, s13, $0xb8;
	[tilespmem:$0x1F400] =	vst v63  }
0xd0: {  	_ =	swait.ge [sflag:s11], $0x4000  }
0xd1: {  	[sflag:s11] =	ssyncset.done $0x0  }
0xd2: {  	[sflag:s11] =	ssyncadd.s32 $0xFFFFC000  }
0xd3: {  	_ =	swait.ge [sflag:s20], $0x4000  }
0xd4: {  	[sflag:s20] =	ssyncset.done $0x0  }
0xd5: {  	[sflag:s20] =	ssyncadd.s32 $0xFFFFC000  }
0xd6: {  	[spmem:s3] =	stream.indirect.scatter.add.f32 [tilespmem:s15], [sflag:$0x5], $0x80, s25, s13, $0xb8;
	[tilespmem:$0x1F400] =	vst v63  }
0xd7: {  	_ =	swait.ge [sflag:s11], $0x4000  }
0xd8: {  	[sflag:s11] =	ssyncset.done $0x0  }
0xd9: {  	[sflag:s11] =	ssyncadd.s32 $0xFFFFC000  }
0xda: {  	_ =	swait.ge [sflag:s21], $0x4000  }
0xdb: {  	[sflag:s21] =	ssyncset.done $0x0  }
0xdc: {  	[sflag:s21] =	ssyncadd.s32 $0xFFFFC000  }
0xdd: {  	[spmem:s3] =	stream.indirect.scatter.add.f32 [tilespmem:s17], [sflag:$0x5], $0x80, s26, s13, $0xb8;
	[tilespmem:$0x1F400] =	vst v63  }
0xde: {  	_ =	swait.ge [sflag:s11], $0x4000  }
0xdf: {  	[sflag:s11] =	ssyncset.done $0x0  }
0xe0: {  	[sflag:s11] =	ssyncadd.s32 $0xFFFFC000  }
0xe1: {  	_ =	swait.ge [sflag:s22], $0x4000  }
0xe2: {  	[sflag:s22] =	ssyncset.done $0x0  }
0xe3: {  	[sflag:s22] =	ssyncadd.s32 $0xFFFFC000  }
0xe4: {  	[spmem:s3] =	stream.indirect.scatter.add.f32 [tilespmem:s18], [sflag:$0x5], $0x80, s28, s13, $0xb8;
	[tilespmem:$0x1F400] =	vst v63  }
0xe5: {  	_ =	swait.ge [sflag:s11], $0x4000  }
0xe6: {  	s4 =	sadd.s32 $0x1, s4;
	s31 =	sshll.u32 s2, $0x6;
	[sflag:s11] =	ssyncset.done $0x0  }
0xe7: {  	p0 =	sne.s32 s4, s9;
	s0 =	sor.u32 $0x1C05, s31;
	[sflag:s11] =	ssyncadd.s32 $0xFFFFC000  }
.Ltmp2:
0xe8: {  	s12 =	sshrl.u32 s5, $0x3;
	[bflag:$0x0] =	sbarrier.arrive $0xFFFF;
	(pc) =	sbr.rel @p0 .LBB2_1-.Ltmp2, $4  }
0xe9: {  	[hbm:s8], [sflag:s0] =	dma.local [spmem:s12], $0x1400  }
0xea: {  	_ =	swait.ge [sflag:s11], $0x1400  }
0xeb: {  	[sflag:s11] =	ssyncset.done $0x0  }
0xec: {  	[sflag:s11] =	ssyncadd.s32 $0xFFFFEC00  }
0xed: {  	_ =	sfence.sel $0x180000  }
0xee: {  	[bflag:$0x0] =	sbarrier.arrive $0xFFFF  }
0xef: {  	_ =	strace $0x90000047  }
0xf0: {  	[bflag:$0x2] =	sbarrier.arrive $0xFFFF  }
0xf1: {  	p0 =	sne.s32 s2, $0x0;
	s0 =	rddreg [dreg:$0x3]  }
0xf2: {  	s0 =	sadd.s32 @!p0 $0x100000, s0  }
0xf3: {  	[sflag:s0] =	ssyncadd.tile.s32 @!p0 $0x1;
	_ =	shalt  }
.Lfunc_end2:
_tile_overlayer_lowered:
.L_overlay_start_2:
0xf4: {  	(tag) =	ssettag $0x2  }
0xf5: {  	s0 =	rddreg [dreg:$0x0];
	s2 =	stileid.u32  }
0xf6: {  	s1 =	rddreg [dreg:$0x1];
	p0 =	sne.s32 s2, $0x0  }
0xf7: {  	s3 =	rddreg [dreg:$0x2];
	[bflag:$0x3] =	sbarrier.arrive $0xFFFF;
	s2 =	simm.s32 @!p0 $0x1C05  }
0xf8: {  	[timem:s3], [sflag:s2] =	dma.local @!p0 [hbm:s0], s1  }
0xf9: {  	s0 =	simm.s32 @!p0 $0x5  }
0xfa: {  	_ =	swait.ge @!p0 [sflag:s0], s1  }
0xfb: {  	s1 =	ssub.s32 @!p0 $0x0, s1;
	[sflag:s0] =	ssyncset.done @!p0 $0x0  }
0xfc: {  	[sflag:s0] =	ssyncadd.s32 @!p0 s1  }
0xfd: {  	[bflag:$0x3] =	sbarrier.arrive $0xFFFF  }
0xfe: {  	_ =	shalt  }

</sc_bundles>
